<compile_context>
chip_gen: v7x
topology: tpu7x:2x2x1
jax: 0.10.2.dev20260603
libtpu: 0.0.44.dev20260713+nightly
codegen_flags: <defaults>
</compile_context>

<pallas_src>
import functools

import jax
import jax.numpy as jnp
import numpy as np
from jax.experimental import pallas as pl
from jax.experimental.pallas import tpu as pltpu

H, W = 200, 304
STRIDE = 4
A = 3
C = 1
BATCH = 2
NUM_PRE_NMS = 2000
MAX_PER_IMG = 1000
NMS_THR = 0.7
BBOX_CLAMP = float(np.log(1000.0 / 16.0))

NPAD = 2048
ROWBLK = 256
OUTPAD = 1024


def _anchors_np():
    ratios = np.array([0.5, 1.0, 2.0], dtype=np.float64)
    scale = 8.0
    base = float(STRIDE)
    ws = (base * scale * np.sqrt(1.0 / ratios)).astype(np.float32)
    hs = (base * scale * np.sqrt(ratios)).astype(np.float32)
    base_a = np.stack([-ws / 2.0, -hs / 2.0, ws / 2.0, hs / 2.0], axis=1)

    xs = (np.arange(W, dtype=np.float32)) * STRIDE
    ys = (np.arange(H, dtype=np.float32)) * STRIDE
    sx, sy = np.meshgrid(xs, ys, indexing="xy")
    shifts = np.stack([sx.ravel(), sy.ravel(), sx.ravel(), sy.ravel()], axis=1)
    return (shifts[:, None, :] + base_a[None, :, :]).reshape(-1, 4).astype(np.float32)


def _decode_clip(ax1, ay1, ax2, ay2, dx, dy, dw, dh, wb, hb):
    aw = ax2 - ax1
    ah = ay2 - ay1
    axc = ax1 + 0.5 * aw
    ayc = ay1 + 0.5 * ah
    dw = jnp.clip(dw, -BBOX_CLAMP, BBOX_CLAMP)
    dh = jnp.clip(dh, -BBOX_CLAMP, BBOX_CLAMP)
    px = dx * aw + axc
    py = dy * ah + ayc
    pw = jnp.exp(dw) * aw
    ph = jnp.exp(dh) * ah
    x1 = jnp.clip(px - 0.5 * pw, 0.0, None)
    y1 = jnp.clip(py - 0.5 * ph, 0.0, None)
    x2 = jnp.clip(px + 0.5 * pw, 0.0, None)
    y2 = jnp.clip(py + 0.5 * ph, 0.0, None)
    x1 = jnp.minimum(x1, wb)
    y1 = jnp.minimum(y1, hb)
    x2 = jnp.minimum(x2, wb)
    y2 = jnp.minimum(y2, hb)
    return x1, y1, x2, y2


def _nms_kernel(packed_ref, packedt_ref, out_ref, sup_ref):
    P = packed_ref[0]
    PT = packedt_ref[0]

    x1, y1, x2, y2 = _decode_clip(
        P[0:1, :], P[1:2, :], P[2:3, :], P[3:4, :],
        P[4:5, :], P[5:6, :], P[6:7, :], P[7:8, :],
        P[9:10, :], P[10:11, :])
    score = P[8:9, :]
    area = (x2 - x1) * (y2 - y1)

    tx1, ty1, tx2, ty2 = _decode_clip(
        PT[:, 0:1], PT[:, 1:2], PT[:, 2:3], PT[:, 3:4],
        PT[:, 4:5], PT[:, 5:6], PT[:, 6:7], PT[:, 7:8],
        PT[:, 8:9], PT[:, 9:10])
    tarea = (tx2 - tx1) * (ty2 - ty1)

    lane_iota = jax.lax.broadcasted_iota(jnp.int32, (1, NPAD), 1)
    col_idx = lane_iota

    keep = jnp.ones((1, NPAD), dtype=jnp.float32)
    for b0 in range(NPAD // ROWBLK):
        s = b0 * ROWBLK
        rx1 = tx1[s:s + ROWBLK, :]
        ry1 = ty1[s:s + ROWBLK, :]
        rx2 = tx2[s:s + ROWBLK, :]
        ry2 = ty2[s:s + ROWBLK, :]
        rarea = tarea[s:s + ROWBLK, :]
        ltx = jnp.maximum(rx1, x1)
        lty = jnp.maximum(ry1, y1)
        rbx = jnp.minimum(rx2, x2)
        rby = jnp.minimum(ry2, y2)
        iw = jnp.clip(rbx - ltx, 0.0, None)
        ih = jnp.clip(rby - lty, 0.0, None)
        inter = iw * ih
        iou = inter / (rarea + area - inter + 1e-9)
        row_idx = s + jax.lax.broadcasted_iota(jnp.int32, (ROWBLK, 1), 0)
        sup_ref[...] = jnp.where((iou > NMS_THR) & (col_idx > row_idx), 1.0, 0.0)

        def body(i, kv):
            gi = s + i
            onehot = jnp.where(lane_iota == gi, 1.0, 0.0)
            keep_i = jnp.sum(kv * onehot)
            row = sup_ref[pl.ds(i, 1), :]
            return kv * (1.0 - keep_i * row)

        keep = jax.lax.fori_loop(0, ROWBLK, body, keep)

    real = jnp.where(score > -0.5, 1.0, 0.0)
    valid = keep * real
    incl = valid
    sh = 1
    while sh < NPAD:
        shifted = jnp.concatenate(
            [jnp.zeros((1, sh), jnp.float32), incl[:, :NPAD - sh]], axis=1)
        incl = incl + shifted
        sh *= 2
    rank = incl - valid
    sel = valid * jnp.where(rank < OUTPAD, 1.0, 0.0)

    iota_r = jax.lax.broadcasted_iota(jnp.int32, (OUTPAD, NPAD), 0)
    rank_b = jnp.broadcast_to(rank.astype(jnp.int32), (OUTPAD, NPAD))
    sel_b = jnp.broadcast_to(sel, (OUTPAD, NPAD))
    pt_mat = jnp.where(iota_r == rank_b, 1.0, 0.0) * sel_b

    ones_c = jnp.ones((NPAD, 1), jnp.float32)
    data = jnp.concatenate(
        [tx1, ty1, tx2, ty2, PT[:, 10:11], ones_c,
         jnp.zeros((NPAD, 122), jnp.float32)], axis=1)
    out_ref[0] = jax.lax.dot_general(
        pt_mat, data, (((1,), (0,)), ((), ())),
        preferred_element_type=jnp.float32)


@jax.jit
def kernel(cls_outs, reg_outs, images_hw):
    anchors = jnp.asarray(_anchors_np())

    scores_all = jax.nn.sigmoid(
        jnp.transpose(cls_outs, (0, 2, 3, 1)).reshape(BATCH, -1))
    topv, topi = jax.lax.top_k(scores_all, NUM_PRE_NMS)

    reg_rows = jnp.transpose(reg_outs, (0, 2, 3, 1)).reshape(BATCH, -1, 4)
    deltas_g = jnp.take_along_axis(reg_rows, topi[:, :, None], axis=1)
    anchors_g = anchors[topi]

    pad = NPAD - NUM_PRE_NMS
    anchors_p = jnp.pad(anchors_g, ((0, 0), (0, pad), (0, 0)))
    deltas_p = jnp.pad(deltas_g, ((0, 0), (0, pad), (0, 0)))
    scores_p = jnp.pad(topv, ((0, 0), (0, pad)), constant_values=-1.0)

    hwf = images_hw.astype(jnp.float32)
    wb = jnp.broadcast_to(hwf[:, 1][:, None, None], (BATCH, 1, NPAD))
    hb = jnp.broadcast_to(hwf[:, 0][:, None, None], (BATCH, 1, NPAD))

    packed = jnp.concatenate(
        [jnp.transpose(anchors_p, (0, 2, 1)),
         jnp.transpose(deltas_p, (0, 2, 1)),
         scores_p[:, None, :], wb, hb,
         jnp.zeros((BATCH, 5, NPAD), jnp.float32)], axis=1)

    wcol = jnp.broadcast_to(hwf[:, 1][:, None, None], (BATCH, NPAD, 1))
    hcol = jnp.broadcast_to(hwf[:, 0][:, None, None], (BATCH, NPAD, 1))
    packedt = jnp.concatenate(
        [anchors_p, deltas_p, wcol, hcol, scores_p[:, :, None],
         jnp.zeros((BATCH, NPAD, 117), jnp.float32)], axis=2)

    out = pl.pallas_call(
        _nms_kernel,
        grid=(BATCH,),
        in_specs=[
            pl.BlockSpec((1, 16, NPAD), lambda b: (b, 0, 0)),
            pl.BlockSpec((1, NPAD, 128), lambda b: (b, 0, 0)),
        ],
        out_specs=pl.BlockSpec((1, OUTPAD, 128), lambda b: (b, 0, 0)),
        out_shape=jax.ShapeDtypeStruct((BATCH, OUTPAD, 128), jnp.float32),
        scratch_shapes=[pltpu.VMEM((ROWBLK, NPAD), jnp.float32)],
    )(packed, packedt)

    res = out[:, :MAX_PER_IMG, :]
    out_boxes = res[:, :, 0:4]
    out_scores = res[:, :, 4]
    validf = res[:, :, 5]
    out_labels = jnp.where(validf > 0.5, 0, -1).astype(jnp.int32)
    return out_boxes, out_scores, out_labels

# --- scband reference (transcript-rebuilt; emitter-appended) ---
"""Pipeline reference for scband-dense2-det-71090298683914 (READ-ONLY COPY).

The authoritative reference and input builder live on the scoring server;
editing this copy changes nothing except your own understanding.
"""

import jax, jax.numpy as jnp
import numpy as np

H, W = 200, 304
STRIDE = 4
A = 3
C = 1
BATCH = 2
NUM_PRE_NMS = 2000
MAX_PER_IMG = 1000
NMS_THR = 0.7
BBOX_CLAMP = float(np.log(1000.0 / 16.0))


def _base_anchors():
    ratios = jnp.array([0.5, 1.0, 2.0], dtype=jnp.float32)
    scale = 8.0
    base = float(STRIDE)
    ws = base * scale * jnp.sqrt(1.0 / ratios)
    hs = base * scale * jnp.sqrt(ratios)
    return jnp.stack([-ws / 2.0, -hs / 2.0, ws / 2.0, hs / 2.0], axis=1)


def _grid_anchors():
    base = _base_anchors()
    xs = jnp.arange(W, dtype=jnp.float32) * STRIDE
    ys = jnp.arange(H, dtype=jnp.float32) * STRIDE
    sx, sy = jnp.meshgrid(xs, ys, indexing='xy')
    shifts = jnp.stack([sx.ravel(), sy.ravel(), sx.ravel(), sy.ravel()], axis=1)
    return (shifts[:, None, :] + base[None, :, :]).reshape(-1, 4)


def _delta_decode(anchors, deltas):
    aw = anchors[:, 2] - anchors[:, 0]
    ah = anchors[:, 3] - anchors[:, 1]
    ax = anchors[:, 0] + 0.5 * aw
    ay = anchors[:, 1] + 0.5 * ah
    dx, dy, dw, dh = deltas[:, 0], deltas[:, 1], deltas[:, 2], deltas[:, 3]
    dw = jnp.clip(dw, -BBOX_CLAMP, BBOX_CLAMP)
    dh = jnp.clip(dh, -BBOX_CLAMP, BBOX_CLAMP)
    px = dx * aw + ax
    py = dy * ah + ay
    pw = jnp.exp(dw) * aw
    ph = jnp.exp(dh) * ah
    return jnp.stack([px - 0.5 * pw, py - 0.5 * ph, px + 0.5 * pw, py + 0.5 * ph], axis=1)


def _pairwise_iou(boxes):
    area = (boxes[:, 2] - boxes[:, 0]) * (boxes[:, 3] - boxes[:, 1])
    lt = jnp.maximum(boxes[:, None, :2], boxes[None, :, :2])
    rb = jnp.minimum(boxes[:, None, 2:], boxes[None, :, 2:])
    wh = jnp.clip(rb - lt, 0.0, None)
    inter = wh[..., 0] * wh[..., 1]
    return inter / (area[:, None] + area[None, :] - inter + 1e-9)


def _nms_keep(boxes, iou_thr):
    n = boxes.shape[0]
    ious = _pairwise_iou(boxes)
    idx = jnp.arange(n)
    def body(i, keep):
        suppress = keep[i] & (ious[i] > iou_thr) & (idx > i)
        return keep & jnp.logical_not(suppress)
    return jax.lax.fori_loop(0, n, body, jnp.ones((n,), dtype=bool))


def _forward_single(cls_out, reg_out, anchors, img_hw):
    # get_params_per_level: flatten [C*A,H,W] -> [H*W*A, C] (scores), [H*W*A, 4] (deltas)
    reg = jnp.transpose(reg_out, (1, 2, 0)).reshape(-1, 4)
    cls = jax.nn.sigmoid(jnp.transpose(cls_out, (1, 2, 0)).reshape(reg.shape[0], -1))
    flat = cls.reshape(-1)
    k = min(NUM_PRE_NMS, flat.shape[0])
    topv, topi = jax.lax.top_k(flat, k)  # score_thr=0.0 => all sigmoid scores valid
    keep_inds = topi // C
    labels = topi % C
    boxes = _delta_decode(anchors[keep_inds], reg[keep_inds])
    h = img_hw[0].astype(boxes.dtype)
    w = img_hw[1].astype(boxes.dtype)
    boxes = jnp.stack([
        jnp.clip(boxes[:, 0], 0.0, w), jnp.clip(boxes[:, 1], 0.0, h),
        jnp.clip(boxes[:, 2], 0.0, w), jnp.clip(boxes[:, 3], 0.0, h)], axis=1)
    # min_box_size=(0,0) -> min_area=0 -> all boxes pass the area filter
    max_coord = jax.lax.stop_gradient(jnp.max(boxes))
    offs = labels.astype(boxes.dtype) * (max_coord + 1.0)
    keep = _nms_keep(jax.lax.stop_gradient(boxes + offs[:, None]), NMS_THR)
    sc = jnp.where(keep, topv, -jnp.inf)
    sel_v, sel_i = jax.lax.top_k(sc, MAX_PER_IMG)
    valid = sel_v > -jnp.inf
    out_boxes = jnp.where(valid[:, None], boxes[sel_i], 0.0)
    out_scores = jnp.where(valid, topv[sel_i], 0.0)
    out_labels = jnp.where(valid, labels[sel_i], -1)
    return out_boxes, out_scores, out_labels


def setup_inputs(seed: int = 0) -> dict:
    key = jax.random.key(seed)
    k1, k2 = jax.random.split(key)
    cls_outs = jax.random.normal(k1, (BATCH, C * A, H, W), dtype=jnp.float32)
    reg_outs = jax.random.normal(k2, (BATCH, 4 * A, H, W), dtype=jnp.float32)
    images_hw = jnp.tile(jnp.array([[H * STRIDE, W * STRIDE]], dtype=jnp.int32), (BATCH, 1))
    return {"cls_outs": cls_outs, "reg_outs": reg_outs, "images_hw": images_hw}


def reference(cls_outs, reg_outs, images_hw):
    anchors = _grid_anchors()
    return jax.vmap(_forward_single, in_axes=(0, 0, None, 0))(cls_outs, reg_outs, anchors, images_hw)

if __name__ == "__main__":
    import jax
    _d = setup_inputs()
    print(jax.jit(kernel)(*tuple(_d.values())))

</pallas_src>

<mosaic_0001>
module attributes {stable_mosaic.version = 14 : i64} {
  func.func @_nms_kernel(%arg0: i32, %arg1: memref<1x16x2048xf32, #tpu.memory_space<vmem>>, %arg2: memref<1x2048x128xf32, #tpu.memory_space<vmem>>, %arg3: memref<1x1024x128xf32, #tpu.memory_space<vmem>>, %arg4: memref<256x2048xf32, #tpu.memory_space<vmem>>) attributes {dimension_semantics = [#tpu.dimension_semantics<arbitrary>], iteration_bounds = array<i64: 2>, scalar_prefetch = 0 : i64, scratch_operands = 1 : i64, tpu.core_type = #tpu.core_type<tc>, window_params = [{transform_indices = @transform_0, window_bounds = array<i64: 1, 16, 2048>}, {transform_indices = @transform_1, window_bounds = array<i64: 1, 2048, 128>}, {transform_indices = @transform_2, window_bounds = array<i64: 1, 1024, 128>}]} {
    %get3A = arith.constant 0 : index
    %get3A_0 = arith.constant 0 : index
    %get3A_1 = arith.constant 0 : index
    %get3A_2 = vector.load %arg1[%get3A, %get3A_0, %get3A_1] : memref<1x16x2048xf32, #tpu.memory_space<vmem>>, vector<1x16x2048xf32>
    %get3A_3 = vector.shape_cast %get3A_2 : vector<1x16x2048xf32> to vector<16x2048xf32>
    %get3A_4 = arith.constant 0 : index
    %get3A_5 = arith.constant 0 : index
    %get3A_6 = arith.constant 0 : index
    %get3A_7 = vector.load %arg2[%get3A_4, %get3A_5, %get3A_6] : memref<1x2048x128xf32, #tpu.memory_space<vmem>>, vector<1x2048x128xf32>
    %get3A_8 = vector.shape_cast %get3A_7 : vector<1x2048x128xf32> to vector<2048x128xf32>
    %slice3A = vector.extract_strided_slice %get3A_3 {offsets = [0, 0], sizes = [1, 2048], strides = [1, 1]} : vector<16x2048xf32> to vector<1x2048xf32>
    %slice3A_9 = vector.extract_strided_slice %get3A_3 {offsets = [1, 0], sizes = [1, 2048], strides = [1, 1]} : vector<16x2048xf32> to vector<1x2048xf32>
    %slice3A_10 = vector.extract_strided_slice %get3A_3 {offsets = [2, 0], sizes = [1, 2048], strides = [1, 1]} : vector<16x2048xf32> to vector<1x2048xf32>
    %slice3A_11 = vector.extract_strided_slice %get3A_3 {offsets = [3, 0], sizes = [1, 2048], strides = [1, 1]} : vector<16x2048xf32> to vector<1x2048xf32>
    %slice3A_12 = vector.extract_strided_slice %get3A_3 {offsets = [4, 0], sizes = [1, 2048], strides = [1, 1]} : vector<16x2048xf32> to vector<1x2048xf32>
    %slice3A_13 = vector.extract_strided_slice %get3A_3 {offsets = [5, 0], sizes = [1, 2048], strides = [1, 1]} : vector<16x2048xf32> to vector<1x2048xf32>
    %slice3A_14 = vector.extract_strided_slice %get3A_3 {offsets = [6, 0], sizes = [1, 2048], strides = [1, 1]} : vector<16x2048xf32> to vector<1x2048xf32>
    %slice3A_15 = vector.extract_strided_slice %get3A_3 {offsets = [7, 0], sizes = [1, 2048], strides = [1, 1]} : vector<16x2048xf32> to vector<1x2048xf32>
    %slice3A_16 = vector.extract_strided_slice %get3A_3 {offsets = [9, 0], sizes = [1, 2048], strides = [1, 1]} : vector<16x2048xf32> to vector<1x2048xf32>
    %slice3A_17 = vector.extract_strided_slice %get3A_3 {offsets = [10, 0], sizes = [1, 2048], strides = [1, 1]} : vector<16x2048xf32> to vector<1x2048xf32>
    %sub3A = arith.subf %slice3A_10, %slice3A : vector<1x2048xf32>
    %sub3A_18 = arith.subf %slice3A_11, %slice3A_9 : vector<1x2048xf32>
    %mul3A = arith.constant 5.000000e-01 : f32
    %mul3A_19 = vector.broadcast %mul3A : f32 to vector<1x2048xf32>
    %mul3A_20 = arith.mulf %mul3A_19, %sub3A : vector<1x2048xf32>
    %add3A = arith.addf %slice3A, %mul3A_20 : vector<1x2048xf32>
    %mul3A_21 = arith.constant 5.000000e-01 : f32
    %mul3A_22 = vector.broadcast %mul3A_21 : f32 to vector<1x2048xf32>
    %mul3A_23 = arith.mulf %mul3A_22, %sub3A_18 : vector<1x2048xf32>
    %add3A_24 = arith.addf %slice3A_9, %mul3A_23 : vector<1x2048xf32>
    %jit3A = arith.constant -4.13516665 : f32
    %jit3A_25 = arith.constant 4.13516665 : f32
    %max3A = vector.broadcast %jit3A : f32 to vector<1x2048xf32>
    %max3A_26 = arith.maximumf %max3A, %slice3A_14 : vector<1x2048xf32>
    %min3A = vector.broadcast %jit3A_25 : f32 to vector<1x2048xf32>
    %min3A_27 = arith.minimumf %min3A, %max3A_26 : vector<1x2048xf32>
    %jit3A_28 = arith.constant -4.13516665 : f32
    %jit3A_29 = arith.constant 4.13516665 : f32
    %max3A_30 = vector.broadcast %jit3A_28 : f32 to vector<1x2048xf32>
    %max3A_31 = arith.maximumf %max3A_30, %slice3A_15 : vector<1x2048xf32>
    %min3A_32 = vector.broadcast %jit3A_29 : f32 to vector<1x2048xf32>
    %min3A_33 = arith.minimumf %min3A_32, %max3A_31 : vector<1x2048xf32>
    %mul3A_34 = arith.mulf %slice3A_12, %sub3A : vector<1x2048xf32>
    %add3A_35 = arith.addf %mul3A_34, %add3A : vector<1x2048xf32>
    %mul3A_36 = arith.mulf %slice3A_13, %sub3A_18 : vector<1x2048xf32>
    %add3A_37 = arith.addf %mul3A_36, %add3A_24 : vector<1x2048xf32>
    %exp3A = math.exp %min3A_27 : vector<1x2048xf32>
    %mul3A_38 = arith.mulf %exp3A, %sub3A : vector<1x2048xf32>
    %exp3A_39 = math.exp %min3A_33 : vector<1x2048xf32>
    %mul3A_40 = arith.mulf %exp3A_39, %sub3A_18 : vector<1x2048xf32>
    %mul3A_41 = arith.constant 5.000000e-01 : f32
    %mul3A_42 = vector.broadcast %mul3A_41 : f32 to vector<1x2048xf32>
    %mul3A_43 = arith.mulf %mul3A_42, %mul3A_38 : vector<1x2048xf32>
    %sub3A_44 = arith.subf %add3A_35, %mul3A_43 : vector<1x2048xf32>
    %jit3A_45 = arith.constant 0.000000e+00 : f32
    %max3A_46 = vector.broadcast %jit3A_45 : f32 to vector<1x2048xf32>
    %max3A_47 = arith.maximumf %max3A_46, %sub3A_44 : vector<1x2048xf32>
    %mul3A_48 = arith.constant 5.000000e-01 : f32
    %mul3A_49 = vector.broadcast %mul3A_48 : f32 to vector<1x2048xf32>
    %mul3A_50 = arith.mulf %mul3A_49, %mul3A_40 : vector<1x2048xf32>
    %sub3A_51 = arith.subf %add3A_37, %mul3A_50 : vector<1x2048xf32>
    %jit3A_52 = arith.constant 0.000000e+00 : f32
    %max3A_53 = vector.broadcast %jit3A_52 : f32 to vector<1x2048xf32>
    %max3A_54 = arith.maximumf %max3A_53, %sub3A_51 : vector<1x2048xf32>
    %mul3A_55 = arith.constant 5.000000e-01 : f32
    %mul3A_56 = vector.broadcast %mul3A_55 : f32 to vector<1x2048xf32>
    %mul3A_57 = arith.mulf %mul3A_56, %mul3A_38 : vector<1x2048xf32>
    %add3A_58 = arith.addf %add3A_35, %mul3A_57 : vector<1x2048xf32>
    %jit3A_59 = arith.constant 0.000000e+00 : f32
    %max3A_60 = vector.broadcast %jit3A_59 : f32 to vector<1x2048xf32>
    %max3A_61 = arith.maximumf %max3A_60, %add3A_58 : vector<1x2048xf32>
    %mul3A_62 = arith.constant 5.000000e-01 : f32
    %mul3A_63 = vector.broadcast %mul3A_62 : f32 to vector<1x2048xf32>
    %mul3A_64 = arith.mulf %mul3A_63, %mul3A_40 : vector<1x2048xf32>
    %add3A_65 = arith.addf %add3A_37, %mul3A_64 : vector<1x2048xf32>
    %jit3A_66 = arith.constant 0.000000e+00 : f32
    %max3A_67 = vector.broadcast %jit3A_66 : f32 to vector<1x2048xf32>
    %max3A_68 = arith.maximumf %max3A_67, %add3A_65 : vector<1x2048xf32>
    %min3A_69 = arith.minimumf %max3A_47, %slice3A_16 : vector<1x2048xf32>
    %min3A_70 = arith.minimumf %max3A_54, %slice3A_17 : vector<1x2048xf32>
    %min3A_71 = arith.minimumf %max3A_61, %slice3A_16 : vector<1x2048xf32>
    %min3A_72 = arith.minimumf %max3A_68, %slice3A_17 : vector<1x2048xf32>
    %slice3A_73 = vector.extract_strided_slice %get3A_3 {offsets = [8, 0], sizes = [1, 2048], strides = [1, 1]} : vector<16x2048xf32> to vector<1x2048xf32>
    %sub3A_74 = arith.subf %min3A_71, %min3A_69 : vector<1x2048xf32>
    %sub3A_75 = arith.subf %min3A_72, %min3A_70 : vector<1x2048xf32>
    %mul3A_76 = arith.mulf %sub3A_74, %sub3A_75 : vector<1x2048xf32>
    %slice3A_77 = vector.extract_strided_slice %get3A_8 {offsets = [0, 0], sizes = [2048, 1], strides = [1, 1]} : vector<2048x128xf32> to vector<2048x1xf32>
    %slice3A_78 = vector.extract_strided_slice %get3A_8 {offsets = [0, 1], sizes = [2048, 1], strides = [1, 1]} : vector<2048x128xf32> to vector<2048x1xf32>
    %slice3A_79 = vector.extract_strided_slice %get3A_8 {offsets = [0, 2], sizes = [2048, 1], strides = [1, 1]} : vector<2048x128xf32> to vector<2048x1xf32>
    %slice3A_80 = vector.extract_strided_slice %get3A_8 {offsets = [0, 3], sizes = [2048, 1], strides = [1, 1]} : vector<2048x128xf32> to vector<2048x1xf32>
    %slice3A_81 = vector.extract_strided_slice %get3A_8 {offsets = [0, 4], sizes = [2048, 1], strides = [1, 1]} : vector<2048x128xf32> to vector<2048x1xf32>
    %slice3A_82 = vector.extract_strided_slice %get3A_8 {offsets = [0, 5], sizes = [2048, 1], strides = [1, 1]} : vector<2048x128xf32> to vector<2048x1xf32>
    %slice3A_83 = vector.extract_strided_slice %get3A_8 {offsets = [0, 6], sizes = [2048, 1], strides = [1, 1]} : vector<2048x128xf32> to vector<2048x1xf32>
    %slice3A_84 = vector.extract_strided_slice %get3A_8 {offsets = [0, 7], sizes = [2048, 1], strides = [1, 1]} : vector<2048x128xf32> to vector<2048x1xf32>
    %slice3A_85 = vector.extract_strided_slice %get3A_8 {offsets = [0, 8], sizes = [2048, 1], strides = [1, 1]} : vector<2048x128xf32> to vector<2048x1xf32>
    %slice3A_86 = vector.extract_strided_slice %get3A_8 {offsets = [0, 9], sizes = [2048, 1], strides = [1, 1]} : vector<2048x128xf32> to vector<2048x1xf32>
    %sub3A_87 = arith.subf %slice3A_79, %slice3A_77 : vector<2048x1xf32>
    %sub3A_88 = arith.subf %slice3A_80, %slice3A_78 : vector<2048x1xf32>
    %mul3A_89 = arith.constant 5.000000e-01 : f32
    %mul3A_90 = vector.broadcast %mul3A_89 : f32 to vector<2048x1xf32>
    %mul3A_91 = arith.mulf %mul3A_90, %sub3A_87 : vector<2048x1xf32>
    %add3A_92 = arith.addf %slice3A_77, %mul3A_91 : vector<2048x1xf32>
    %mul3A_93 = arith.constant 5.000000e-01 : f32
    %mul3A_94 = vector.broadcast %mul3A_93 : f32 to vector<2048x1xf32>
    %mul3A_95 = arith.mulf %mul3A_94, %sub3A_88 : vector<2048x1xf32>
    %add3A_96 = arith.addf %slice3A_78, %mul3A_95 : vector<2048x1xf32>
    %jit3A_97 = arith.constant -4.13516665 : f32
    %jit3A_98 = arith.constant 4.13516665 : f32
    %max3A_99 = vector.broadcast %jit3A_97 : f32 to vector<2048x1xf32>
    %max3A_100 = arith.maximumf %max3A_99, %slice3A_83 : vector<2048x1xf32>
    %min3A_101 = vector.broadcast %jit3A_98 : f32 to vector<2048x1xf32>
    %min3A_102 = arith.minimumf %min3A_101, %max3A_100 : vector<2048x1xf32>
    %jit3A_103 = arith.constant -4.13516665 : f32
    %jit3A_104 = arith.constant 4.13516665 : f32
    %max3A_105 = vector.broadcast %jit3A_103 : f32 to vector<2048x1xf32>
    %max3A_106 = arith.maximumf %max3A_105, %slice3A_84 : vector<2048x1xf32>
    %min3A_107 = vector.broadcast %jit3A_104 : f32 to vector<2048x1xf32>
    %min3A_108 = arith.minimumf %min3A_107, %max3A_106 : vector<2048x1xf32>
    %mul3A_109 = arith.mulf %slice3A_81, %sub3A_87 : vector<2048x1xf32>
    %add3A_110 = arith.addf %mul3A_109, %add3A_92 : vector<2048x1xf32>
    %mul3A_111 = arith.mulf %slice3A_82, %sub3A_88 : vector<2048x1xf32>
    %add3A_112 = arith.addf %mul3A_111, %add3A_96 : vector<2048x1xf32>
    %exp3A_113 = math.exp %min3A_102 : vector<2048x1xf32>
    %mul3A_114 = arith.mulf %exp3A_113, %sub3A_87 : vector<2048x1xf32>
    %exp3A_115 = math.exp %min3A_108 : vector<2048x1xf32>
    %mul3A_116 = arith.mulf %exp3A_115, %sub3A_88 : vector<2048x1xf32>
    %mul3A_117 = arith.constant 5.000000e-01 : f32
    %mul3A_118 = vector.broadcast %mul3A_117 : f32 to vector<2048x1xf32>
    %mul3A_119 = arith.mulf %mul3A_118, %mul3A_114 : vector<2048x1xf32>
    %sub3A_120 = arith.subf %add3A_110, %mul3A_119 : vector<2048x1xf32>
    %jit3A_121 = arith.constant 0.000000e+00 : f32
    %max3A_122 = vector.broadcast %jit3A_121 : f32 to vector<2048x1xf32>
    %max3A_123 = arith.maximumf %max3A_122, %sub3A_120 : vector<2048x1xf32>
    %mul3A_124 = arith.constant 5.000000e-01 : f32
    %mul3A_125 = vector.broadcast %mul3A_124 : f32 to vector<2048x1xf32>
    %mul3A_126 = arith.mulf %mul3A_125, %mul3A_116 : vector<2048x1xf32>
    %sub3A_127 = arith.subf %add3A_112, %mul3A_126 : vector<2048x1xf32>
    %jit3A_128 = arith.constant 0.000000e+00 : f32
    %max3A_129 = vector.broadcast %jit3A_128 : f32 to vector<2048x1xf32>
    %max3A_130 = arith.maximumf %max3A_129, %sub3A_127 : vector<2048x1xf32>
    %mul3A_131 = arith.constant 5.000000e-01 : f32
    %mul3A_132 = vector.broadcast %mul3A_131 : f32 to vector<2048x1xf32>
    %mul3A_133 = arith.mulf %mul3A_132, %mul3A_114 : vector<2048x1xf32>
    %add3A_134 = arith.addf %add3A_110, %mul3A_133 : vector<2048x1xf32>
    %jit3A_135 = arith.constant 0.000000e+00 : f32
    %max3A_136 = vector.broadcast %jit3A_135 : f32 to vector<2048x1xf32>
    %max3A_137 = arith.maximumf %max3A_136, %add3A_134 : vector<2048x1xf32>
    %mul3A_138 = arith.constant 5.000000e-01 : f32
    %mul3A_139 = vector.broadcast %mul3A_138 : f32 to vector<2048x1xf32>
    %mul3A_140 = arith.mulf %mul3A_139, %mul3A_116 : vector<2048x1xf32>
    %add3A_141 = arith.addf %add3A_112, %mul3A_140 : vector<2048x1xf32>
    %jit3A_142 = arith.constant 0.000000e+00 : f32
    %max3A_143 = vector.broadcast %jit3A_142 : f32 to vector<2048x1xf32>
    %max3A_144 = arith.maximumf %max3A_143, %add3A_141 : vector<2048x1xf32>
    %min3A_145 = arith.minimumf %max3A_123, %slice3A_85 : vector<2048x1xf32>
    %min3A_146 = arith.minimumf %max3A_130, %slice3A_86 : vector<2048x1xf32>
    %min3A_147 = arith.minimumf %max3A_137, %slice3A_85 : vector<2048x1xf32>
    %min3A_148 = arith.minimumf %max3A_144, %slice3A_86 : vector<2048x1xf32>
    %sub3A_149 = arith.subf %min3A_147, %min3A_145 : vector<2048x1xf32>
    %sub3A_150 = arith.subf %min3A_148, %min3A_146 : vector<2048x1xf32>
    %mul3A_151 = arith.mulf %sub3A_149, %sub3A_150 : vector<2048x1xf32>
    %iota3A = tpu.iota {dimensions = array<i32: 1>} : vector<1x2048xi32>
    %broadcast_in_dim3A = arith.constant 1.000000e+00 : f32
    %broadcast_in_dim3A_152 = vector.broadcast %broadcast_in_dim3A : f32 to vector<1x2048xf32>
    %slice3A_153 = vector.extract_strided_slice %min3A_145 {offsets = [0, 0], sizes = [256, 1], strides = [1, 1]} : vector<2048x1xf32> to vector<256x1xf32>
    %slice3A_154 = vector.extract_strided_slice %min3A_146 {offsets = [0, 0], sizes = [256, 1], strides = [1, 1]} : vector<2048x1xf32> to vector<256x1xf32>
    %slice3A_155 = vector.extract_strided_slice %min3A_147 {offsets = [0, 0], sizes = [256, 1], strides = [1, 1]} : vector<2048x1xf32> to vector<256x1xf32>
    %slice3A_156 = vector.extract_strided_slice %min3A_148 {offsets = [0, 0], sizes = [256, 1], strides = [1, 1]} : vector<2048x1xf32> to vector<256x1xf32>
    %slice3A_157 = vector.extract_strided_slice %mul3A_151 {offsets = [0, 0], sizes = [256, 1], strides = [1, 1]} : vector<2048x1xf32> to vector<256x1xf32>
    %max3A_158 = vector.broadcast %slice3A_153 : vector<256x1xf32> to vector<256x2048xf32>
    %max3A_159 = vector.broadcast %min3A_69 : vector<1x2048xf32> to vector<256x2048xf32>
    %max3A_160 = arith.maximumf %max3A_158, %max3A_159 : vector<256x2048xf32>
    %max3A_161 = vector.broadcast %slice3A_154 : vector<256x1xf32> to vector<256x2048xf32>
    %max3A_162 = vector.broadcast %min3A_70 : vector<1x2048xf32> to vector<256x2048xf32>
    %max3A_163 = arith.maximumf %max3A_161, %max3A_162 : vector<256x2048xf32>
    %min3A_164 = vector.broadcast %slice3A_155 : vector<256x1xf32> to vector<256x2048xf32>
    %min3A_165 = vector.broadcast %min3A_71 : vector<1x2048xf32> to vector<256x2048xf32>
    %min3A_166 = arith.minimumf %min3A_164, %min3A_165 : vector<256x2048xf32>
    %min3A_167 = vector.broadcast %slice3A_156 : vector<256x1xf32> to vector<256x2048xf32>
    %min3A_168 = vector.broadcast %min3A_72 : vector<1x2048xf32> to vector<256x2048xf32>
    %min3A_169 = arith.minimumf %min3A_167, %min3A_168 : vector<256x2048xf32>
    %sub3A_170 = arith.subf %min3A_166, %max3A_160 : vector<256x2048xf32>
    %jit3A_171 = arith.constant 0.000000e+00 : f32
    %max3A_172 = vector.broadcast %jit3A_171 : f32 to vector<256x2048xf32>
    %max3A_173 = arith.maximumf %max3A_172, %sub3A_170 : vector<256x2048xf32>
    %sub3A_174 = arith.subf %min3A_169, %max3A_163 : vector<256x2048xf32>
    %jit3A_175 = arith.constant 0.000000e+00 : f32
    %max3A_176 = vector.broadcast %jit3A_175 : f32 to vector<256x2048xf32>
    %max3A_177 = arith.maximumf %max3A_176, %sub3A_174 : vector<256x2048xf32>
    %mul3A_178 = arith.mulf %max3A_173, %max3A_177 : vector<256x2048xf32>
    %add3A_179 = vector.broadcast %slice3A_157 : vector<256x1xf32> to vector<256x2048xf32>
    %add3A_180 = vector.broadcast %mul3A_76 : vector<1x2048xf32> to vector<256x2048xf32>
    %add3A_181 = arith.addf %add3A_179, %add3A_180 : vector<256x2048xf32>
    %sub3A_182 = arith.subf %add3A_181, %mul3A_178 : vector<256x2048xf32>
    %add3A_183 = arith.constant 9.99999971E-10 : f32
    %add3A_184 = vector.broadcast %add3A_183 : f32 to vector<256x2048xf32>
    %add3A_185 = arith.addf %sub3A_182, %add3A_184 : vector<256x2048xf32>
    %div3A = arith.divf %mul3A_178, %add3A_185 : vector<256x2048xf32>
    %iota3A_186 = tpu.iota {dimensions = array<i32: 0>} : vector<256x1xi32>
    %add3A_187 = arith.constant 0 : i32
    %add3A_188 = vector.broadcast %add3A_187 : i32 to vector<256x1xi32>
    %add3A_189 = arith.addi %add3A_188, %iota3A_186 : vector<256x1xi32>
    %gt3A = arith.constant 0.699999988 : f32
    %gt3A_190 = vector.broadcast %gt3A : f32 to vector<256x2048xf32>
    %gt3A_191 = arith.cmpf ogt, %div3A, %gt3A_190 : vector<256x2048xf32>
    %gt3A_192 = vector.broadcast %iota3A : vector<1x2048xi32> to vector<256x2048xi32>
    %gt3A_193 = vector.broadcast %add3A_189 : vector<256x1xi32> to vector<256x2048xi32>
    %gt3A_194 = arith.cmpi sgt, %gt3A_192, %gt3A_193 : vector<256x2048xi32>
    %and3A = arith.andi %gt3A_191, %gt3A_194 : vector<256x2048xi1>
    %jit3A_195 = arith.constant 1.000000e+00 : f32
    %jit3A_196 = arith.constant 0.000000e+00 : f32
    %broadcast_in_dim3A_197 = vector.broadcast %jit3A_195 : f32 to vector<256x2048xf32>
    %broadcast_in_dim3A_198 = vector.broadcast %jit3A_196 : f32 to vector<256x2048xf32>
    %select_n3A = arith.select %and3A, %broadcast_in_dim3A_197, %broadcast_in_dim3A_198 : vector<256x2048xi1>, vector<256x2048xf32>
    %swap3A = arith.constant 0 : index
    %swap3A_199 = arith.constant 0 : index
    %swap3A_200 = vector.load %arg4[%swap3A, %swap3A_199] : memref<256x2048xf32, #tpu.memory_space<vmem>>, vector<256x2048xf32>
    tpu.vector_store %arg4[%swap3A, %swap3A_199], %select_n3A {strides = array<i32>} : memref<256x2048xf32, #tpu.memory_space<vmem>>, vector<256x2048xf32>,
    %scan3A = arith.constant 0 : i32
    %scan3A_201 = arith.constant 256 : i32
    %scan3A_202 = arith.addi %scan3A, %scan3A_201 : i32
    %scan3A_203 = arith.constant 1 : i32
    %scan3A_204 = scf.for %scan3A_715 = %scan3A to %scan3A_202 step %scan3A_203 iter_args(%scan3A_716 = %broadcast_in_dim3A_152) -> (vector<1x2048xf32>)  : i32 {
      %add3A_717 = arith.constant 0 : i32
      %add3A_718 = arith.addi %add3A_717, %scan3A_715 : i32
      %eq3A_719 = vector.broadcast %add3A_718 : i32 to vector<1x2048xi32>
      %eq3A_720 = arith.cmpi eq, %iota3A, %eq3A_719 : vector<1x2048xi32>
      %jit3A_721 = arith.constant 1.000000e+00 : f32
      %jit3A_722 = arith.constant 0.000000e+00 : f32
      %broadcast_in_dim3A_723 = vector.broadcast %jit3A_721 : f32 to vector<1x2048xf32>
      %broadcast_in_dim3A_724 = vector.broadcast %jit3A_722 : f32 to vector<1x2048xf32>
      %select_n3A_725 = arith.select %eq3A_720, %broadcast_in_dim3A_723, %broadcast_in_dim3A_724 : vector<1x2048xi1>, vector<1x2048xf32>
      %mul3A_726 = arith.mulf %scan3A_716, %select_n3A_725 : vector<1x2048xf32>
      %reduce_sum3A = vector.shape_cast %mul3A_726 : vector<1x2048xf32> to vector<1x1x2048xf32>
      %reduce_sum3A_727 = arith.constant dense<0.000000e+00> : vector<1xf32>
      %reduce_sum3A_728 = vector.multi_reduction <add>, %reduce_sum3A, %reduce_sum3A_727 [1, 2] : vector<1x1x2048xf32> to vector<1xf32>
      %reduce_sum3A_729 = vector.shape_cast %reduce_sum3A_728 : vector<1xf32> to vector<1x1x1xf32>
      %reduce_sum3A_730 = vector.extract %reduce_sum3A_729[0, 0, 0] : f32 from vector<1x1x1xf32>
      %get3A_731 = arith.index_cast %scan3A_715 : i32 to index
      %get3A_732 = arith.constant 0 : index
      %get3A_733 = vector.load %arg4[%get3A_731, %get3A_732] : memref<256x2048xf32, #tpu.memory_space<vmem>>, vector<1x2048xf32>
      %mul3A_734 = vector.broadcast %reduce_sum3A_730 : f32 to vector<1x2048xf32>
      %mul3A_735 = arith.mulf %mul3A_734, %get3A_733 : vector<1x2048xf32>
      %sub3A_736 = arith.constant 1.000000e+00 : f32
      %sub3A_737 = vector.broadcast %sub3A_736 : f32 to vector<1x2048xf32>
      %sub3A_738 = arith.subf %sub3A_737, %mul3A_735 : vector<1x2048xf32>
      %mul3A_739 = arith.mulf %scan3A_716, %sub3A_738 : vector<1x2048xf32>
      scf.yield %mul3A_739 : vector<1x2048xf32>
    }
    %scan3A_205 = arith.constant 256 : i32
    %slice3A_206 = vector.extract_strided_slice %min3A_145 {offsets = [256, 0], sizes = [256, 1], strides = [1, 1]} : vector<2048x1xf32> to vector<256x1xf32>
    %slice3A_207 = vector.extract_strided_slice %min3A_146 {offsets = [256, 0], sizes = [256, 1], strides = [1, 1]} : vector<2048x1xf32> to vector<256x1xf32>
    %slice3A_208 = vector.extract_strided_slice %min3A_147 {offsets = [256, 0], sizes = [256, 1], strides = [1, 1]} : vector<2048x1xf32> to vector<256x1xf32>
    %slice3A_209 = vector.extract_strided_slice %min3A_148 {offsets = [256, 0], sizes = [256, 1], strides = [1, 1]} : vector<2048x1xf32> to vector<256x1xf32>
    %slice3A_210 = vector.extract_strided_slice %mul3A_151 {offsets = [256, 0], sizes = [256, 1], strides = [1, 1]} : vector<2048x1xf32> to vector<256x1xf32>
    %max3A_211 = vector.broadcast %slice3A_206 : vector<256x1xf32> to vector<256x2048xf32>
    %max3A_212 = vector.broadcast %min3A_69 : vector<1x2048xf32> to vector<256x2048xf32>
    %max3A_213 = arith.maximumf %max3A_211, %max3A_212 : vector<256x2048xf32>
    %max3A_214 = vector.broadcast %slice3A_207 : vector<256x1xf32> to vector<256x2048xf32>
    %max3A_215 = vector.broadcast %min3A_70 : vector<1x2048xf32> to vector<256x2048xf32>
    %max3A_216 = arith.maximumf %max3A_214, %max3A_215 : vector<256x2048xf32>
    %min3A_217 = vector.broadcast %slice3A_208 : vector<256x1xf32> to vector<256x2048xf32>
    %min3A_218 = vector.broadcast %min3A_71 : vector<1x2048xf32> to vector<256x2048xf32>
    %min3A_219 = arith.minimumf %min3A_217, %min3A_218 : vector<256x2048xf32>
    %min3A_220 = vector.broadcast %slice3A_209 : vector<256x1xf32> to vector<256x2048xf32>
    %min3A_221 = vector.broadcast %min3A_72 : vector<1x2048xf32> to vector<256x2048xf32>
    %min3A_222 = arith.minimumf %min3A_220, %min3A_221 : vector<256x2048xf32>
    %sub3A_223 = arith.subf %min3A_219, %max3A_213 : vector<256x2048xf32>
    %jit3A_224 = arith.constant 0.000000e+00 : f32
    %max3A_225 = vector.broadcast %jit3A_224 : f32 to vector<256x2048xf32>
    %max3A_226 = arith.maximumf %max3A_225, %sub3A_223 : vector<256x2048xf32>
    %sub3A_227 = arith.subf %min3A_222, %max3A_216 : vector<256x2048xf32>
    %jit3A_228 = arith.constant 0.000000e+00 : f32
    %max3A_229 = vector.broadcast %jit3A_228 : f32 to vector<256x2048xf32>
    %max3A_230 = arith.maximumf %max3A_229, %sub3A_227 : vector<256x2048xf32>
    %mul3A_231 = arith.mulf %max3A_226, %max3A_230 : vector<256x2048xf32>
    %add3A_232 = vector.broadcast %slice3A_210 : vector<256x1xf32> to vector<256x2048xf32>
    %add3A_233 = vector.broadcast %mul3A_76 : vector<1x2048xf32> to vector<256x2048xf32>
    %add3A_234 = arith.addf %add3A_232, %add3A_233 : vector<256x2048xf32>
    %sub3A_235 = arith.subf %add3A_234, %mul3A_231 : vector<256x2048xf32>
    %add3A_236 = arith.constant 9.99999971E-10 : f32
    %add3A_237 = vector.broadcast %add3A_236 : f32 to vector<256x2048xf32>
    %add3A_238 = arith.addf %sub3A_235, %add3A_237 : vector<256x2048xf32>
    %div3A_239 = arith.divf %mul3A_231, %add3A_238 : vector<256x2048xf32>
    %iota3A_240 = tpu.iota {dimensions = array<i32: 0>} : vector<256x1xi32>
    %add3A_241 = arith.constant 256 : i32
    %add3A_242 = vector.broadcast %add3A_241 : i32 to vector<256x1xi32>
    %add3A_243 = arith.addi %add3A_242, %iota3A_240 : vector<256x1xi32>
    %gt3A_244 = arith.constant 0.699999988 : f32
    %gt3A_245 = vector.broadcast %gt3A_244 : f32 to vector<256x2048xf32>
    %gt3A_246 = arith.cmpf ogt, %div3A_239, %gt3A_245 : vector<256x2048xf32>
    %gt3A_247 = vector.broadcast %iota3A : vector<1x2048xi32> to vector<256x2048xi32>
    %gt3A_248 = vector.broadcast %add3A_243 : vector<256x1xi32> to vector<256x2048xi32>
    %gt3A_249 = arith.cmpi sgt, %gt3A_247, %gt3A_248 : vector<256x2048xi32>
    %and3A_250 = arith.andi %gt3A_246, %gt3A_249 : vector<256x2048xi1>
    %jit3A_251 = arith.constant 1.000000e+00 : f32
    %jit3A_252 = arith.constant 0.000000e+00 : f32
    %broadcast_in_dim3A_253 = vector.broadcast %jit3A_251 : f32 to vector<256x2048xf32>
    %broadcast_in_dim3A_254 = vector.broadcast %jit3A_252 : f32 to vector<256x2048xf32>
    %select_n3A_255 = arith.select %and3A_250, %broadcast_in_dim3A_253, %broadcast_in_dim3A_254 : vector<256x2048xi1>, vector<256x2048xf32>
    %swap3A_256 = arith.constant 0 : index
    %swap3A_257 = arith.constant 0 : index
    %swap3A_258 = vector.load %arg4[%swap3A_256, %swap3A_257] : memref<256x2048xf32, #tpu.memory_space<vmem>>, vector<256x2048xf32>
    tpu.vector_store %arg4[%swap3A_256, %swap3A_257], %select_n3A_255 {strides = array<i32>} : memref<256x2048xf32, #tpu.memory_space<vmem>>, vector<256x2048xf32>,
    %scan3A_259 = arith.constant 0 : i32
    %scan3A_260 = arith.constant 256 : i32
    %scan3A_261 = arith.addi %scan3A_259, %scan3A_260 : i32
    %scan3A_262 = arith.constant 1 : i32
    %scan3A_263 = scf.for %scan3A_715 = %scan3A_259 to %scan3A_261 step %scan3A_262 iter_args(%scan3A_716 = %scan3A_204) -> (vector<1x2048xf32>)  : i32 {
      %add3A_717 = arith.constant 256 : i32
      %add3A_718 = arith.addi %add3A_717, %scan3A_715 : i32
      %eq3A_719 = vector.broadcast %add3A_718 : i32 to vector<1x2048xi32>
      %eq3A_720 = arith.cmpi eq, %iota3A, %eq3A_719 : vector<1x2048xi32>
      %jit3A_721 = arith.constant 1.000000e+00 : f32
      %jit3A_722 = arith.constant 0.000000e+00 : f32
      %broadcast_in_dim3A_723 = vector.broadcast %jit3A_721 : f32 to vector<1x2048xf32>
      %broadcast_in_dim3A_724 = vector.broadcast %jit3A_722 : f32 to vector<1x2048xf32>
      %select_n3A_725 = arith.select %eq3A_720, %broadcast_in_dim3A_723, %broadcast_in_dim3A_724 : vector<1x2048xi1>, vector<1x2048xf32>
      %mul3A_726 = arith.mulf %scan3A_716, %select_n3A_725 : vector<1x2048xf32>
      %reduce_sum3A = vector.shape_cast %mul3A_726 : vector<1x2048xf32> to vector<1x1x2048xf32>
      %reduce_sum3A_727 = arith.constant dense<0.000000e+00> : vector<1xf32>
      %reduce_sum3A_728 = vector.multi_reduction <add>, %reduce_sum3A, %reduce_sum3A_727 [1, 2] : vector<1x1x2048xf32> to vector<1xf32>
      %reduce_sum3A_729 = vector.shape_cast %reduce_sum3A_728 : vector<1xf32> to vector<1x1x1xf32>
      %reduce_sum3A_730 = vector.extract %reduce_sum3A_729[0, 0, 0] : f32 from vector<1x1x1xf32>
      %get3A_731 = arith.index_cast %scan3A_715 : i32 to index
      %get3A_732 = arith.constant 0 : index
      %get3A_733 = vector.load %arg4[%get3A_731, %get3A_732] : memref<256x2048xf32, #tpu.memory_space<vmem>>, vector<1x2048xf32>
      %mul3A_734 = vector.broadcast %reduce_sum3A_730 : f32 to vector<1x2048xf32>
      %mul3A_735 = arith.mulf %mul3A_734, %get3A_733 : vector<1x2048xf32>
      %sub3A_736 = arith.constant 1.000000e+00 : f32
      %sub3A_737 = vector.broadcast %sub3A_736 : f32 to vector<1x2048xf32>
      %sub3A_738 = arith.subf %sub3A_737, %mul3A_735 : vector<1x2048xf32>
      %mul3A_739 = arith.mulf %scan3A_716, %sub3A_738 : vector<1x2048xf32>
      scf.yield %mul3A_739 : vector<1x2048xf32>
    }
    %scan3A_264 = arith.constant 256 : i32
    %slice3A_265 = vector.extract_strided_slice %min3A_145 {offsets = [512, 0], sizes = [256, 1], strides = [1, 1]} : vector<2048x1xf32> to vector<256x1xf32>
    %slice3A_266 = vector.extract_strided_slice %min3A_146 {offsets = [512, 0], sizes = [256, 1], strides = [1, 1]} : vector<2048x1xf32> to vector<256x1xf32>
    %slice3A_267 = vector.extract_strided_slice %min3A_147 {offsets = [512, 0], sizes = [256, 1], strides = [1, 1]} : vector<2048x1xf32> to vector<256x1xf32>
    %slice3A_268 = vector.extract_strided_slice %min3A_148 {offsets = [512, 0], sizes = [256, 1], strides = [1, 1]} : vector<2048x1xf32> to vector<256x1xf32>
    %slice3A_269 = vector.extract_strided_slice %mul3A_151 {offsets = [512, 0], sizes = [256, 1], strides = [1, 1]} : vector<2048x1xf32> to vector<256x1xf32>
    %max3A_270 = vector.broadcast %slice3A_265 : vector<256x1xf32> to vector<256x2048xf32>
    %max3A_271 = vector.broadcast %min3A_69 : vector<1x2048xf32> to vector<256x2048xf32>
    %max3A_272 = arith.maximumf %max3A_270, %max3A_271 : vector<256x2048xf32>
    %max3A_273 = vector.broadcast %slice3A_266 : vector<256x1xf32> to vector<256x2048xf32>
    %max3A_274 = vector.broadcast %min3A_70 : vector<1x2048xf32> to vector<256x2048xf32>
    %max3A_275 = arith.maximumf %max3A_273, %max3A_274 : vector<256x2048xf32>
    %min3A_276 = vector.broadcast %slice3A_267 : vector<256x1xf32> to vector<256x2048xf32>
    %min3A_277 = vector.broadcast %min3A_71 : vector<1x2048xf32> to vector<256x2048xf32>
    %min3A_278 = arith.minimumf %min3A_276, %min3A_277 : vector<256x2048xf32>
    %min3A_279 = vector.broadcast %slice3A_268 : vector<256x1xf32> to vector<256x2048xf32>
    %min3A_280 = vector.broadcast %min3A_72 : vector<1x2048xf32> to vector<256x2048xf32>
    %min3A_281 = arith.minimumf %min3A_279, %min3A_280 : vector<256x2048xf32>
    %sub3A_282 = arith.subf %min3A_278, %max3A_272 : vector<256x2048xf32>
    %jit3A_283 = arith.constant 0.000000e+00 : f32
    %max3A_284 = vector.broadcast %jit3A_283 : f32 to vector<256x2048xf32>
    %max3A_285 = arith.maximumf %max3A_284, %sub3A_282 : vector<256x2048xf32>
    %sub3A_286 = arith.subf %min3A_281, %max3A_275 : vector<256x2048xf32>
    %jit3A_287 = arith.constant 0.000000e+00 : f32
    %max3A_288 = vector.broadcast %jit3A_287 : f32 to vector<256x2048xf32>
    %max3A_289 = arith.maximumf %max3A_288, %sub3A_286 : vector<256x2048xf32>
    %mul3A_290 = arith.mulf %max3A_285, %max3A_289 : vector<256x2048xf32>
    %add3A_291 = vector.broadcast %slice3A_269 : vector<256x1xf32> to vector<256x2048xf32>
    %add3A_292 = vector.broadcast %mul3A_76 : vector<1x2048xf32> to vector<256x2048xf32>
    %add3A_293 = arith.addf %add3A_291, %add3A_292 : vector<256x2048xf32>
    %sub3A_294 = arith.subf %add3A_293, %mul3A_290 : vector<256x2048xf32>
    %add3A_295 = arith.constant 9.99999971E-10 : f32
    %add3A_296 = vector.broadcast %add3A_295 : f32 to vector<256x2048xf32>
    %add3A_297 = arith.addf %sub3A_294, %add3A_296 : vector<256x2048xf32>
    %div3A_298 = arith.divf %mul3A_290, %add3A_297 : vector<256x2048xf32>
    %iota3A_299 = tpu.iota {dimensions = array<i32: 0>} : vector<256x1xi32>
    %add3A_300 = arith.constant 512 : i32
    %add3A_301 = vector.broadcast %add3A_300 : i32 to vector<256x1xi32>
    %add3A_302 = arith.addi %add3A_301, %iota3A_299 : vector<256x1xi32>
    %gt3A_303 = arith.constant 0.699999988 : f32
    %gt3A_304 = vector.broadcast %gt3A_303 : f32 to vector<256x2048xf32>
    %gt3A_305 = arith.cmpf ogt, %div3A_298, %gt3A_304 : vector<256x2048xf32>
    %gt3A_306 = vector.broadcast %iota3A : vector<1x2048xi32> to vector<256x2048xi32>
    %gt3A_307 = vector.broadcast %add3A_302 : vector<256x1xi32> to vector<256x2048xi32>
    %gt3A_308 = arith.cmpi sgt, %gt3A_306, %gt3A_307 : vector<256x2048xi32>
    %and3A_309 = arith.andi %gt3A_305, %gt3A_308 : vector<256x2048xi1>
    %jit3A_310 = arith.constant 1.000000e+00 : f32
    %jit3A_311 = arith.constant 0.000000e+00 : f32
    %broadcast_in_dim3A_312 = vector.broadcast %jit3A_310 : f32 to vector<256x2048xf32>
    %broadcast_in_dim3A_313 = vector.broadcast %jit3A_311 : f32 to vector<256x2048xf32>
    %select_n3A_314 = arith.select %and3A_309, %broadcast_in_dim3A_312, %broadcast_in_dim3A_313 : vector<256x2048xi1>, vector<256x2048xf32>
    %swap3A_315 = arith.constant 0 : index
    %swap3A_316 = arith.constant 0 : index
    %swap3A_317 = vector.load %arg4[%swap3A_315, %swap3A_316] : memref<256x2048xf32, #tpu.memory_space<vmem>>, vector<256x2048xf32>
    tpu.vector_store %arg4[%swap3A_315, %swap3A_316], %select_n3A_314 {strides = array<i32>} : memref<256x2048xf32, #tpu.memory_space<vmem>>, vector<256x2048xf32>,
    %scan3A_318 = arith.constant 0 : i32
    %scan3A_319 = arith.constant 256 : i32
    %scan3A_320 = arith.addi %scan3A_318, %scan3A_319 : i32
    %scan3A_321 = arith.constant 1 : i32
    %scan3A_322 = scf.for %scan3A_715 = %scan3A_318 to %scan3A_320 step %scan3A_321 iter_args(%scan3A_716 = %scan3A_263) -> (vector<1x2048xf32>)  : i32 {
      %add3A_717 = arith.constant 512 : i32
      %add3A_718 = arith.addi %add3A_717, %scan3A_715 : i32
      %eq3A_719 = vector.broadcast %add3A_718 : i32 to vector<1x2048xi32>
      %eq3A_720 = arith.cmpi eq, %iota3A, %eq3A_719 : vector<1x2048xi32>
      %jit3A_721 = arith.constant 1.000000e+00 : f32
      %jit3A_722 = arith.constant 0.000000e+00 : f32
      %broadcast_in_dim3A_723 = vector.broadcast %jit3A_721 : f32 to vector<1x2048xf32>
      %broadcast_in_dim3A_724 = vector.broadcast %jit3A_722 : f32 to vector<1x2048xf32>
      %select_n3A_725 = arith.select %eq3A_720, %broadcast_in_dim3A_723, %broadcast_in_dim3A_724 : vector<1x2048xi1>, vector<1x2048xf32>
      %mul3A_726 = arith.mulf %scan3A_716, %select_n3A_725 : vector<1x2048xf32>
      %reduce_sum3A = vector.shape_cast %mul3A_726 : vector<1x2048xf32> to vector<1x1x2048xf32>
      %reduce_sum3A_727 = arith.constant dense<0.000000e+00> : vector<1xf32>
      %reduce_sum3A_728 = vector.multi_reduction <add>, %reduce_sum3A, %reduce_sum3A_727 [1, 2] : vector<1x1x2048xf32> to vector<1xf32>
      %reduce_sum3A_729 = vector.shape_cast %reduce_sum3A_728 : vector<1xf32> to vector<1x1x1xf32>
      %reduce_sum3A_730 = vector.extract %reduce_sum3A_729[0, 0, 0] : f32 from vector<1x1x1xf32>
      %get3A_731 = arith.index_cast %scan3A_715 : i32 to index
      %get3A_732 = arith.constant 0 : index
      %get3A_733 = vector.load %arg4[%get3A_731, %get3A_732] : memref<256x2048xf32, #tpu.memory_space<vmem>>, vector<1x2048xf32>
      %mul3A_734 = vector.broadcast %reduce_sum3A_730 : f32 to vector<1x2048xf32>
      %mul3A_735 = arith.mulf %mul3A_734, %get3A_733 : vector<1x2048xf32>
      %sub3A_736 = arith.constant 1.000000e+00 : f32
      %sub3A_737 = vector.broadcast %sub3A_736 : f32 to vector<1x2048xf32>
      %sub3A_738 = arith.subf %sub3A_737, %mul3A_735 : vector<1x2048xf32>
      %mul3A_739 = arith.mulf %scan3A_716, %sub3A_738 : vector<1x2048xf32>
      scf.yield %mul3A_739 : vector<1x2048xf32>
    }
    %scan3A_323 = arith.constant 256 : i32
    %slice3A_324 = vector.extract_strided_slice %min3A_145 {offsets = [768, 0], sizes = [256, 1], strides = [1, 1]} : vector<2048x1xf32> to vector<256x1xf32>
    %slice3A_325 = vector.extract_strided_slice %min3A_146 {offsets = [768, 0], sizes = [256, 1], strides = [1, 1]} : vector<2048x1xf32> to vector<256x1xf32>
    %slice3A_326 = vector.extract_strided_slice %min3A_147 {offsets = [768, 0], sizes = [256, 1], strides = [1, 1]} : vector<2048x1xf32> to vector<256x1xf32>
    %slice3A_327 = vector.extract_strided_slice %min3A_148 {offsets = [768, 0], sizes = [256, 1], strides = [1, 1]} : vector<2048x1xf32> to vector<256x1xf32>
    %slice3A_328 = vector.extract_strided_slice %mul3A_151 {offsets = [768, 0], sizes = [256, 1], strides = [1, 1]} : vector<2048x1xf32> to vector<256x1xf32>
    %max3A_329 = vector.broadcast %slice3A_324 : vector<256x1xf32> to vector<256x2048xf32>
    %max3A_330 = vector.broadcast %min3A_69 : vector<1x2048xf32> to vector<256x2048xf32>
    %max3A_331 = arith.maximumf %max3A_329, %max3A_330 : vector<256x2048xf32>
    %max3A_332 = vector.broadcast %slice3A_325 : vector<256x1xf32> to vector<256x2048xf32>
    %max3A_333 = vector.broadcast %min3A_70 : vector<1x2048xf32> to vector<256x2048xf32>
    %max3A_334 = arith.maximumf %max3A_332, %max3A_333 : vector<256x2048xf32>
    %min3A_335 = vector.broadcast %slice3A_326 : vector<256x1xf32> to vector<256x2048xf32>
    %min3A_336 = vector.broadcast %min3A_71 : vector<1x2048xf32> to vector<256x2048xf32>
    %min3A_337 = arith.minimumf %min3A_335, %min3A_336 : vector<256x2048xf32>
    %min3A_338 = vector.broadcast %slice3A_327 : vector<256x1xf32> to vector<256x2048xf32>
    %min3A_339 = vector.broadcast %min3A_72 : vector<1x2048xf32> to vector<256x2048xf32>
    %min3A_340 = arith.minimumf %min3A_338, %min3A_339 : vector<256x2048xf32>
    %sub3A_341 = arith.subf %min3A_337, %max3A_331 : vector<256x2048xf32>
    %jit3A_342 = arith.constant 0.000000e+00 : f32
    %max3A_343 = vector.broadcast %jit3A_342 : f32 to vector<256x2048xf32>
    %max3A_344 = arith.maximumf %max3A_343, %sub3A_341 : vector<256x2048xf32>
    %sub3A_345 = arith.subf %min3A_340, %max3A_334 : vector<256x2048xf32>
    %jit3A_346 = arith.constant 0.000000e+00 : f32
    %max3A_347 = vector.broadcast %jit3A_346 : f32 to vector<256x2048xf32>
    %max3A_348 = arith.maximumf %max3A_347, %sub3A_345 : vector<256x2048xf32>
    %mul3A_349 = arith.mulf %max3A_344, %max3A_348 : vector<256x2048xf32>
    %add3A_350 = vector.broadcast %slice3A_328 : vector<256x1xf32> to vector<256x2048xf32>
    %add3A_351 = vector.broadcast %mul3A_76 : vector<1x2048xf32> to vector<256x2048xf32>
    %add3A_352 = arith.addf %add3A_350, %add3A_351 : vector<256x2048xf32>
    %sub3A_353 = arith.subf %add3A_352, %mul3A_349 : vector<256x2048xf32>
    %add3A_354 = arith.constant 9.99999971E-10 : f32
    %add3A_355 = vector.broadcast %add3A_354 : f32 to vector<256x2048xf32>
    %add3A_356 = arith.addf %sub3A_353, %add3A_355 : vector<256x2048xf32>
    %div3A_357 = arith.divf %mul3A_349, %add3A_356 : vector<256x2048xf32>
    %iota3A_358 = tpu.iota {dimensions = array<i32: 0>} : vector<256x1xi32>
    %add3A_359 = arith.constant 768 : i32
    %add3A_360 = vector.broadcast %add3A_359 : i32 to vector<256x1xi32>
    %add3A_361 = arith.addi %add3A_360, %iota3A_358 : vector<256x1xi32>
    %gt3A_362 = arith.constant 0.699999988 : f32
    %gt3A_363 = vector.broadcast %gt3A_362 : f32 to vector<256x2048xf32>
    %gt3A_364 = arith.cmpf ogt, %div3A_357, %gt3A_363 : vector<256x2048xf32>
    %gt3A_365 = vector.broadcast %iota3A : vector<1x2048xi32> to vector<256x2048xi32>
    %gt3A_366 = vector.broadcast %add3A_361 : vector<256x1xi32> to vector<256x2048xi32>
    %gt3A_367 = arith.cmpi sgt, %gt3A_365, %gt3A_366 : vector<256x2048xi32>
    %and3A_368 = arith.andi %gt3A_364, %gt3A_367 : vector<256x2048xi1>
    %jit3A_369 = arith.constant 1.000000e+00 : f32
    %jit3A_370 = arith.constant 0.000000e+00 : f32
    %broadcast_in_dim3A_371 = vector.broadcast %jit3A_369 : f32 to vector<256x2048xf32>
    %broadcast_in_dim3A_372 = vector.broadcast %jit3A_370 : f32 to vector<256x2048xf32>
    %select_n3A_373 = arith.select %and3A_368, %broadcast_in_dim3A_371, %broadcast_in_dim3A_372 : vector<256x2048xi1>, vector<256x2048xf32>
    %swap3A_374 = arith.constant 0 : index
    %swap3A_375 = arith.constant 0 : index
    %swap3A_376 = vector.load %arg4[%swap3A_374, %swap3A_375] : memref<256x2048xf32, #tpu.memory_space<vmem>>, vector<256x2048xf32>
    tpu.vector_store %arg4[%swap3A_374, %swap3A_375], %select_n3A_373 {strides = array<i32>} : memref<256x2048xf32, #tpu.memory_space<vmem>>, vector<256x2048xf32>,
    %scan3A_377 = arith.constant 0 : i32
    %scan3A_378 = arith.constant 256 : i32
    %scan3A_379 = arith.addi %scan3A_377, %scan3A_378 : i32
    %scan3A_380 = arith.constant 1 : i32
    %scan3A_381 = scf.for %scan3A_715 = %scan3A_377 to %scan3A_379 step %scan3A_380 iter_args(%scan3A_716 = %scan3A_322) -> (vector<1x2048xf32>)  : i32 {
      %add3A_717 = arith.constant 768 : i32
      %add3A_718 = arith.addi %add3A_717, %scan3A_715 : i32
      %eq3A_719 = vector.broadcast %add3A_718 : i32 to vector<1x2048xi32>
      %eq3A_720 = arith.cmpi eq, %iota3A, %eq3A_719 : vector<1x2048xi32>
      %jit3A_721 = arith.constant 1.000000e+00 : f32
      %jit3A_722 = arith.constant 0.000000e+00 : f32
      %broadcast_in_dim3A_723 = vector.broadcast %jit3A_721 : f32 to vector<1x2048xf32>
      %broadcast_in_dim3A_724 = vector.broadcast %jit3A_722 : f32 to vector<1x2048xf32>
      %select_n3A_725 = arith.select %eq3A_720, %broadcast_in_dim3A_723, %broadcast_in_dim3A_724 : vector<1x2048xi1>, vector<1x2048xf32>
      %mul3A_726 = arith.mulf %scan3A_716, %select_n3A_725 : vector<1x2048xf32>
      %reduce_sum3A = vector.shape_cast %mul3A_726 : vector<1x2048xf32> to vector<1x1x2048xf32>
      %reduce_sum3A_727 = arith.constant dense<0.000000e+00> : vector<1xf32>
      %reduce_sum3A_728 = vector.multi_reduction <add>, %reduce_sum3A, %reduce_sum3A_727 [1, 2] : vector<1x1x2048xf32> to vector<1xf32>
      %reduce_sum3A_729 = vector.shape_cast %reduce_sum3A_728 : vector<1xf32> to vector<1x1x1xf32>
      %reduce_sum3A_730 = vector.extract %reduce_sum3A_729[0, 0, 0] : f32 from vector<1x1x1xf32>
      %get3A_731 = arith.index_cast %scan3A_715 : i32 to index
      %get3A_732 = arith.constant 0 : index
      %get3A_733 = vector.load %arg4[%get3A_731, %get3A_732] : memref<256x2048xf32, #tpu.memory_space<vmem>>, vector<1x2048xf32>
      %mul3A_734 = vector.broadcast %reduce_sum3A_730 : f32 to vector<1x2048xf32>
      %mul3A_735 = arith.mulf %mul3A_734, %get3A_733 : vector<1x2048xf32>
      %sub3A_736 = arith.constant 1.000000e+00 : f32
      %sub3A_737 = vector.broadcast %sub3A_736 : f32 to vector<1x2048xf32>
      %sub3A_738 = arith.subf %sub3A_737, %mul3A_735 : vector<1x2048xf32>
      %mul3A_739 = arith.mulf %scan3A_716, %sub3A_738 : vector<1x2048xf32>
      scf.yield %mul3A_739 : vector<1x2048xf32>
    }
    %scan3A_382 = arith.constant 256 : i32
    %slice3A_383 = vector.extract_strided_slice %min3A_145 {offsets = [1024, 0], sizes = [256, 1], strides = [1, 1]} : vector<2048x1xf32> to vector<256x1xf32>
    %slice3A_384 = vector.extract_strided_slice %min3A_146 {offsets = [1024, 0], sizes = [256, 1], strides = [1, 1]} : vector<2048x1xf32> to vector<256x1xf32>
    %slice3A_385 = vector.extract_strided_slice %min3A_147 {offsets = [1024, 0], sizes = [256, 1], strides = [1, 1]} : vector<2048x1xf32> to vector<256x1xf32>
    %slice3A_386 = vector.extract_strided_slice %min3A_148 {offsets = [1024, 0], sizes = [256, 1], strides = [1, 1]} : vector<2048x1xf32> to vector<256x1xf32>
    %slice3A_387 = vector.extract_strided_slice %mul3A_151 {offsets = [1024, 0], sizes = [256, 1], strides = [1, 1]} : vector<2048x1xf32> to vector<256x1xf32>
    %max3A_388 = vector.broadcast %slice3A_383 : vector<256x1xf32> to vector<256x2048xf32>
    %max3A_389 = vector.broadcast %min3A_69 : vector<1x2048xf32> to vector<256x2048xf32>
    %max3A_390 = arith.maximumf %max3A_388, %max3A_389 : vector<256x2048xf32>
    %max3A_391 = vector.broadcast %slice3A_384 : vector<256x1xf32> to vector<256x2048xf32>
    %max3A_392 = vector.broadcast %min3A_70 : vector<1x2048xf32> to vector<256x2048xf32>
    %max3A_393 = arith.maximumf %max3A_391, %max3A_392 : vector<256x2048xf32>
    %min3A_394 = vector.broadcast %slice3A_385 : vector<256x1xf32> to vector<256x2048xf32>
    %min3A_395 = vector.broadcast %min3A_71 : vector<1x2048xf32> to vector<256x2048xf32>
    %min3A_396 = arith.minimumf %min3A_394, %min3A_395 : vector<256x2048xf32>
    %min3A_397 = vector.broadcast %slice3A_386 : vector<256x1xf32> to vector<256x2048xf32>
    %min3A_398 = vector.broadcast %min3A_72 : vector<1x2048xf32> to vector<256x2048xf32>
    %min3A_399 = arith.minimumf %min3A_397, %min3A_398 : vector<256x2048xf32>
    %sub3A_400 = arith.subf %min3A_396, %max3A_390 : vector<256x2048xf32>
    %jit3A_401 = arith.constant 0.000000e+00 : f32
    %max3A_402 = vector.broadcast %jit3A_401 : f32 to vector<256x2048xf32>
    %max3A_403 = arith.maximumf %max3A_402, %sub3A_400 : vector<256x2048xf32>
    %sub3A_404 = arith.subf %min3A_399, %max3A_393 : vector<256x2048xf32>
    %jit3A_405 = arith.constant 0.000000e+00 : f32
    %max3A_406 = vector.broadcast %jit3A_405 : f32 to vector<256x2048xf32>
    %max3A_407 = arith.maximumf %max3A_406, %sub3A_404 : vector<256x2048xf32>
    %mul3A_408 = arith.mulf %max3A_403, %max3A_407 : vector<256x2048xf32>
    %add3A_409 = vector.broadcast %slice3A_387 : vector<256x1xf32> to vector<256x2048xf32>
    %add3A_410 = vector.broadcast %mul3A_76 : vector<1x2048xf32> to vector<256x2048xf32>
    %add3A_411 = arith.addf %add3A_409, %add3A_410 : vector<256x2048xf32>
    %sub3A_412 = arith.subf %add3A_411, %mul3A_408 : vector<256x2048xf32>
    %add3A_413 = arith.constant 9.99999971E-10 : f32
    %add3A_414 = vector.broadcast %add3A_413 : f32 to vector<256x2048xf32>
    %add3A_415 = arith.addf %sub3A_412, %add3A_414 : vector<256x2048xf32>
    %div3A_416 = arith.divf %mul3A_408, %add3A_415 : vector<256x2048xf32>
    %iota3A_417 = tpu.iota {dimensions = array<i32: 0>} : vector<256x1xi32>
    %add3A_418 = arith.constant 1024 : i32
    %add3A_419 = vector.broadcast %add3A_418 : i32 to vector<256x1xi32>
    %add3A_420 = arith.addi %add3A_419, %iota3A_417 : vector<256x1xi32>
    %gt3A_421 = arith.constant 0.699999988 : f32
    %gt3A_422 = vector.broadcast %gt3A_421 : f32 to vector<256x2048xf32>
    %gt3A_423 = arith.cmpf ogt, %div3A_416, %gt3A_422 : vector<256x2048xf32>
    %gt3A_424 = vector.broadcast %iota3A : vector<1x2048xi32> to vector<256x2048xi32>
    %gt3A_425 = vector.broadcast %add3A_420 : vector<256x1xi32> to vector<256x2048xi32>
    %gt3A_426 = arith.cmpi sgt, %gt3A_424, %gt3A_425 : vector<256x2048xi32>
    %and3A_427 = arith.andi %gt3A_423, %gt3A_426 : vector<256x2048xi1>
    %jit3A_428 = arith.constant 1.000000e+00 : f32
    %jit3A_429 = arith.constant 0.000000e+00 : f32
    %broadcast_in_dim3A_430 = vector.broadcast %jit3A_428 : f32 to vector<256x2048xf32>
    %broadcast_in_dim3A_431 = vector.broadcast %jit3A_429 : f32 to vector<256x2048xf32>
    %select_n3A_432 = arith.select %and3A_427, %broadcast_in_dim3A_430, %broadcast_in_dim3A_431 : vector<256x2048xi1>, vector<256x2048xf32>
    %swap3A_433 = arith.constant 0 : index
    %swap3A_434 = arith.constant 0 : index
    %swap3A_435 = vector.load %arg4[%swap3A_433, %swap3A_434] : memref<256x2048xf32, #tpu.memory_space<vmem>>, vector<256x2048xf32>
    tpu.vector_store %arg4[%swap3A_433, %swap3A_434], %select_n3A_432 {strides = array<i32>} : memref<256x2048xf32, #tpu.memory_space<vmem>>, vector<256x2048xf32>,
    %scan3A_436 = arith.constant 0 : i32
    %scan3A_437 = arith.constant 256 : i32
    %scan3A_438 = arith.addi %scan3A_436, %scan3A_437 : i32
    %scan3A_439 = arith.constant 1 : i32
    %scan3A_440 = scf.for %scan3A_715 = %scan3A_436 to %scan3A_438 step %scan3A_439 iter_args(%scan3A_716 = %scan3A_381) -> (vector<1x2048xf32>)  : i32 {
      %add3A_717 = arith.constant 1024 : i32
      %add3A_718 = arith.addi %add3A_717, %scan3A_715 : i32
      %eq3A_719 = vector.broadcast %add3A_718 : i32 to vector<1x2048xi32>
      %eq3A_720 = arith.cmpi eq, %iota3A, %eq3A_719 : vector<1x2048xi32>
      %jit3A_721 = arith.constant 1.000000e+00 : f32
      %jit3A_722 = arith.constant 0.000000e+00 : f32
      %broadcast_in_dim3A_723 = vector.broadcast %jit3A_721 : f32 to vector<1x2048xf32>
      %broadcast_in_dim3A_724 = vector.broadcast %jit3A_722 : f32 to vector<1x2048xf32>
      %select_n3A_725 = arith.select %eq3A_720, %broadcast_in_dim3A_723, %broadcast_in_dim3A_724 : vector<1x2048xi1>, vector<1x2048xf32>
      %mul3A_726 = arith.mulf %scan3A_716, %select_n3A_725 : vector<1x2048xf32>
      %reduce_sum3A = vector.shape_cast %mul3A_726 : vector<1x2048xf32> to vector<1x1x2048xf32>
      %reduce_sum3A_727 = arith.constant dense<0.000000e+00> : vector<1xf32>
      %reduce_sum3A_728 = vector.multi_reduction <add>, %reduce_sum3A, %reduce_sum3A_727 [1, 2] : vector<1x1x2048xf32> to vector<1xf32>
      %reduce_sum3A_729 = vector.shape_cast %reduce_sum3A_728 : vector<1xf32> to vector<1x1x1xf32>
      %reduce_sum3A_730 = vector.extract %reduce_sum3A_729[0, 0, 0] : f32 from vector<1x1x1xf32>
      %get3A_731 = arith.index_cast %scan3A_715 : i32 to index
      %get3A_732 = arith.constant 0 : index
      %get3A_733 = vector.load %arg4[%get3A_731, %get3A_732] : memref<256x2048xf32, #tpu.memory_space<vmem>>, vector<1x2048xf32>
      %mul3A_734 = vector.broadcast %reduce_sum3A_730 : f32 to vector<1x2048xf32>
      %mul3A_735 = arith.mulf %mul3A_734, %get3A_733 : vector<1x2048xf32>
      %sub3A_736 = arith.constant 1.000000e+00 : f32
      %sub3A_737 = vector.broadcast %sub3A_736 : f32 to vector<1x2048xf32>
      %sub3A_738 = arith.subf %sub3A_737, %mul3A_735 : vector<1x2048xf32>
      %mul3A_739 = arith.mulf %scan3A_716, %sub3A_738 : vector<1x2048xf32>
      scf.yield %mul3A_739 : vector<1x2048xf32>
    }
    %scan3A_441 = arith.constant 256 : i32
    %slice3A_442 = vector.extract_strided_slice %min3A_145 {offsets = [1280, 0], sizes = [256, 1], strides = [1, 1]} : vector<2048x1xf32> to vector<256x1xf32>
    %slice3A_443 = vector.extract_strided_slice %min3A_146 {offsets = [1280, 0], sizes = [256, 1], strides = [1, 1]} : vector<2048x1xf32> to vector<256x1xf32>
    %slice3A_444 = vector.extract_strided_slice %min3A_147 {offsets = [1280, 0], sizes = [256, 1], strides = [1, 1]} : vector<2048x1xf32> to vector<256x1xf32>
    %slice3A_445 = vector.extract_strided_slice %min3A_148 {offsets = [1280, 0], sizes = [256, 1], strides = [1, 1]} : vector<2048x1xf32> to vector<256x1xf32>
    %slice3A_446 = vector.extract_strided_slice %mul3A_151 {offsets = [1280, 0], sizes = [256, 1], strides = [1, 1]} : vector<2048x1xf32> to vector<256x1xf32>
    %max3A_447 = vector.broadcast %slice3A_442 : vector<256x1xf32> to vector<256x2048xf32>
    %max3A_448 = vector.broadcast %min3A_69 : vector<1x2048xf32> to vector<256x2048xf32>
    %max3A_449 = arith.maximumf %max3A_447, %max3A_448 : vector<256x2048xf32>
    %max3A_450 = vector.broadcast %slice3A_443 : vector<256x1xf32> to vector<256x2048xf32>
    %max3A_451 = vector.broadcast %min3A_70 : vector<1x2048xf32> to vector<256x2048xf32>
    %max3A_452 = arith.maximumf %max3A_450, %max3A_451 : vector<256x2048xf32>
    %min3A_453 = vector.broadcast %slice3A_444 : vector<256x1xf32> to vector<256x2048xf32>
    %min3A_454 = vector.broadcast %min3A_71 : vector<1x2048xf32> to vector<256x2048xf32>
    %min3A_455 = arith.minimumf %min3A_453, %min3A_454 : vector<256x2048xf32>
    %min3A_456 = vector.broadcast %slice3A_445 : vector<256x1xf32> to vector<256x2048xf32>
    %min3A_457 = vector.broadcast %min3A_72 : vector<1x2048xf32> to vector<256x2048xf32>
    %min3A_458 = arith.minimumf %min3A_456, %min3A_457 : vector<256x2048xf32>
    %sub3A_459 = arith.subf %min3A_455, %max3A_449 : vector<256x2048xf32>
    %jit3A_460 = arith.constant 0.000000e+00 : f32
    %max3A_461 = vector.broadcast %jit3A_460 : f32 to vector<256x2048xf32>
    %max3A_462 = arith.maximumf %max3A_461, %sub3A_459 : vector<256x2048xf32>
    %sub3A_463 = arith.subf %min3A_458, %max3A_452 : vector<256x2048xf32>
    %jit3A_464 = arith.constant 0.000000e+00 : f32
    %max3A_465 = vector.broadcast %jit3A_464 : f32 to vector<256x2048xf32>
    %max3A_466 = arith.maximumf %max3A_465, %sub3A_463 : vector<256x2048xf32>
    %mul3A_467 = arith.mulf %max3A_462, %max3A_466 : vector<256x2048xf32>
    %add3A_468 = vector.broadcast %slice3A_446 : vector<256x1xf32> to vector<256x2048xf32>
    %add3A_469 = vector.broadcast %mul3A_76 : vector<1x2048xf32> to vector<256x2048xf32>
    %add3A_470 = arith.addf %add3A_468, %add3A_469 : vector<256x2048xf32>
    %sub3A_471 = arith.subf %add3A_470, %mul3A_467 : vector<256x2048xf32>
    %add3A_472 = arith.constant 9.99999971E-10 : f32
    %add3A_473 = vector.broadcast %add3A_472 : f32 to vector<256x2048xf32>
    %add3A_474 = arith.addf %sub3A_471, %add3A_473 : vector<256x2048xf32>
    %div3A_475 = arith.divf %mul3A_467, %add3A_474 : vector<256x2048xf32>
    %iota3A_476 = tpu.iota {dimensions = array<i32: 0>} : vector<256x1xi32>
    %add3A_477 = arith.constant 1280 : i32
    %add3A_478 = vector.broadcast %add3A_477 : i32 to vector<256x1xi32>
    %add3A_479 = arith.addi %add3A_478, %iota3A_476 : vector<256x1xi32>
    %gt3A_480 = arith.constant 0.699999988 : f32
    %gt3A_481 = vector.broadcast %gt3A_480 : f32 to vector<256x2048xf32>
    %gt3A_482 = arith.cmpf ogt, %div3A_475, %gt3A_481 : vector<256x2048xf32>
    %gt3A_483 = vector.broadcast %iota3A : vector<1x2048xi32> to vector<256x2048xi32>
    %gt3A_484 = vector.broadcast %add3A_479 : vector<256x1xi32> to vector<256x2048xi32>
    %gt3A_485 = arith.cmpi sgt, %gt3A_483, %gt3A_484 : vector<256x2048xi32>
    %and3A_486 = arith.andi %gt3A_482, %gt3A_485 : vector<256x2048xi1>
    %jit3A_487 = arith.constant 1.000000e+00 : f32
    %jit3A_488 = arith.constant 0.000000e+00 : f32
    %broadcast_in_dim3A_489 = vector.broadcast %jit3A_487 : f32 to vector<256x2048xf32>
    %broadcast_in_dim3A_490 = vector.broadcast %jit3A_488 : f32 to vector<256x2048xf32>
    %select_n3A_491 = arith.select %and3A_486, %broadcast_in_dim3A_489, %broadcast_in_dim3A_490 : vector<256x2048xi1>, vector<256x2048xf32>
    %swap3A_492 = arith.constant 0 : index
    %swap3A_493 = arith.constant 0 : index
    %swap3A_494 = vector.load %arg4[%swap3A_492, %swap3A_493] : memref<256x2048xf32, #tpu.memory_space<vmem>>, vector<256x2048xf32>
    tpu.vector_store %arg4[%swap3A_492, %swap3A_493], %select_n3A_491 {strides = array<i32>} : memref<256x2048xf32, #tpu.memory_space<vmem>>, vector<256x2048xf32>,
    %scan3A_495 = arith.constant 0 : i32
    %scan3A_496 = arith.constant 256 : i32
    %scan3A_497 = arith.addi %scan3A_495, %scan3A_496 : i32
    %scan3A_498 = arith.constant 1 : i32
    %scan3A_499 = scf.for %scan3A_715 = %scan3A_495 to %scan3A_497 step %scan3A_498 iter_args(%scan3A_716 = %scan3A_440) -> (vector<1x2048xf32>)  : i32 {
      %add3A_717 = arith.constant 1280 : i32
      %add3A_718 = arith.addi %add3A_717, %scan3A_715 : i32
      %eq3A_719 = vector.broadcast %add3A_718 : i32 to vector<1x2048xi32>
      %eq3A_720 = arith.cmpi eq, %iota3A, %eq3A_719 : vector<1x2048xi32>
      %jit3A_721 = arith.constant 1.000000e+00 : f32
      %jit3A_722 = arith.constant 0.000000e+00 : f32
      %broadcast_in_dim3A_723 = vector.broadcast %jit3A_721 : f32 to vector<1x2048xf32>
      %broadcast_in_dim3A_724 = vector.broadcast %jit3A_722 : f32 to vector<1x2048xf32>
      %select_n3A_725 = arith.select %eq3A_720, %broadcast_in_dim3A_723, %broadcast_in_dim3A_724 : vector<1x2048xi1>, vector<1x2048xf32>
      %mul3A_726 = arith.mulf %scan3A_716, %select_n3A_725 : vector<1x2048xf32>
      %reduce_sum3A = vector.shape_cast %mul3A_726 : vector<1x2048xf32> to vector<1x1x2048xf32>
      %reduce_sum3A_727 = arith.constant dense<0.000000e+00> : vector<1xf32>
      %reduce_sum3A_728 = vector.multi_reduction <add>, %reduce_sum3A, %reduce_sum3A_727 [1, 2] : vector<1x1x2048xf32> to vector<1xf32>
      %reduce_sum3A_729 = vector.shape_cast %reduce_sum3A_728 : vector<1xf32> to vector<1x1x1xf32>
      %reduce_sum3A_730 = vector.extract %reduce_sum3A_729[0, 0, 0] : f32 from vector<1x1x1xf32>
      %get3A_731 = arith.index_cast %scan3A_715 : i32 to index
      %get3A_732 = arith.constant 0 : index
      %get3A_733 = vector.load %arg4[%get3A_731, %get3A_732] : memref<256x2048xf32, #tpu.memory_space<vmem>>, vector<1x2048xf32>
      %mul3A_734 = vector.broadcast %reduce_sum3A_730 : f32 to vector<1x2048xf32>
      %mul3A_735 = arith.mulf %mul3A_734, %get3A_733 : vector<1x2048xf32>
      %sub3A_736 = arith.constant 1.000000e+00 : f32
      %sub3A_737 = vector.broadcast %sub3A_736 : f32 to vector<1x2048xf32>
      %sub3A_738 = arith.subf %sub3A_737, %mul3A_735 : vector<1x2048xf32>
      %mul3A_739 = arith.mulf %scan3A_716, %sub3A_738 : vector<1x2048xf32>
      scf.yield %mul3A_739 : vector<1x2048xf32>
    }
    %scan3A_500 = arith.constant 256 : i32
    %slice3A_501 = vector.extract_strided_slice %min3A_145 {offsets = [1536, 0], sizes = [256, 1], strides = [1, 1]} : vector<2048x1xf32> to vector<256x1xf32>
    %slice3A_502 = vector.extract_strided_slice %min3A_146 {offsets = [1536, 0], sizes = [256, 1], strides = [1, 1]} : vector<2048x1xf32> to vector<256x1xf32>
    %slice3A_503 = vector.extract_strided_slice %min3A_147 {offsets = [1536, 0], sizes = [256, 1], strides = [1, 1]} : vector<2048x1xf32> to vector<256x1xf32>
    %slice3A_504 = vector.extract_strided_slice %min3A_148 {offsets = [1536, 0], sizes = [256, 1], strides = [1, 1]} : vector<2048x1xf32> to vector<256x1xf32>
    %slice3A_505 = vector.extract_strided_slice %mul3A_151 {offsets = [1536, 0], sizes = [256, 1], strides = [1, 1]} : vector<2048x1xf32> to vector<256x1xf32>
    %max3A_506 = vector.broadcast %slice3A_501 : vector<256x1xf32> to vector<256x2048xf32>
    %max3A_507 = vector.broadcast %min3A_69 : vector<1x2048xf32> to vector<256x2048xf32>
    %max3A_508 = arith.maximumf %max3A_506, %max3A_507 : vector<256x2048xf32>
    %max3A_509 = vector.broadcast %slice3A_502 : vector<256x1xf32> to vector<256x2048xf32>
    %max3A_510 = vector.broadcast %min3A_70 : vector<1x2048xf32> to vector<256x2048xf32>
    %max3A_511 = arith.maximumf %max3A_509, %max3A_510 : vector<256x2048xf32>
    %min3A_512 = vector.broadcast %slice3A_503 : vector<256x1xf32> to vector<256x2048xf32>
    %min3A_513 = vector.broadcast %min3A_71 : vector<1x2048xf32> to vector<256x2048xf32>
    %min3A_514 = arith.minimumf %min3A_512, %min3A_513 : vector<256x2048xf32>
    %min3A_515 = vector.broadcast %slice3A_504 : vector<256x1xf32> to vector<256x2048xf32>
    %min3A_516 = vector.broadcast %min3A_72 : vector<1x2048xf32> to vector<256x2048xf32>
    %min3A_517 = arith.minimumf %min3A_515, %min3A_516 : vector<256x2048xf32>
    %sub3A_518 = arith.subf %min3A_514, %max3A_508 : vector<256x2048xf32>
    %jit3A_519 = arith.constant 0.000000e+00 : f32
    %max3A_520 = vector.broadcast %jit3A_519 : f32 to vector<256x2048xf32>
    %max3A_521 = arith.maximumf %max3A_520, %sub3A_518 : vector<256x2048xf32>
    %sub3A_522 = arith.subf %min3A_517, %max3A_511 : vector<256x2048xf32>
    %jit3A_523 = arith.constant 0.000000e+00 : f32
    %max3A_524 = vector.broadcast %jit3A_523 : f32 to vector<256x2048xf32>
    %max3A_525 = arith.maximumf %max3A_524, %sub3A_522 : vector<256x2048xf32>
    %mul3A_526 = arith.mulf %max3A_521, %max3A_525 : vector<256x2048xf32>
    %add3A_527 = vector.broadcast %slice3A_505 : vector<256x1xf32> to vector<256x2048xf32>
    %add3A_528 = vector.broadcast %mul3A_76 : vector<1x2048xf32> to vector<256x2048xf32>
    %add3A_529 = arith.addf %add3A_527, %add3A_528 : vector<256x2048xf32>
    %sub3A_530 = arith.subf %add3A_529, %mul3A_526 : vector<256x2048xf32>
    %add3A_531 = arith.constant 9.99999971E-10 : f32
    %add3A_532 = vector.broadcast %add3A_531 : f32 to vector<256x2048xf32>
    %add3A_533 = arith.addf %sub3A_530, %add3A_532 : vector<256x2048xf32>
    %div3A_534 = arith.divf %mul3A_526, %add3A_533 : vector<256x2048xf32>
    %iota3A_535 = tpu.iota {dimensions = array<i32: 0>} : vector<256x1xi32>
    %add3A_536 = arith.constant 1536 : i32
    %add3A_537 = vector.broadcast %add3A_536 : i32 to vector<256x1xi32>
    %add3A_538 = arith.addi %add3A_537, %iota3A_535 : vector<256x1xi32>
    %gt3A_539 = arith.constant 0.699999988 : f32
    %gt3A_540 = vector.broadcast %gt3A_539 : f32 to vector<256x2048xf32>
    %gt3A_541 = arith.cmpf ogt, %div3A_534, %gt3A_540 : vector<256x2048xf32>
    %gt3A_542 = vector.broadcast %iota3A : vector<1x2048xi32> to vector<256x2048xi32>
    %gt3A_543 = vector.broadcast %add3A_538 : vector<256x1xi32> to vector<256x2048xi32>
    %gt3A_544 = arith.cmpi sgt, %gt3A_542, %gt3A_543 : vector<256x2048xi32>
    %and3A_545 = arith.andi %gt3A_541, %gt3A_544 : vector<256x2048xi1>
    %jit3A_546 = arith.constant 1.000000e+00 : f32
    %jit3A_547 = arith.constant 0.000000e+00 : f32
    %broadcast_in_dim3A_548 = vector.broadcast %jit3A_546 : f32 to vector<256x2048xf32>
    %broadcast_in_dim3A_549 = vector.broadcast %jit3A_547 : f32 to vector<256x2048xf32>
    %select_n3A_550 = arith.select %and3A_545, %broadcast_in_dim3A_548, %broadcast_in_dim3A_549 : vector<256x2048xi1>, vector<256x2048xf32>
    %swap3A_551 = arith.constant 0 : index
    %swap3A_552 = arith.constant 0 : index
    %swap3A_553 = vector.load %arg4[%swap3A_551, %swap3A_552] : memref<256x2048xf32, #tpu.memory_space<vmem>>, vector<256x2048xf32>
    tpu.vector_store %arg4[%swap3A_551, %swap3A_552], %select_n3A_550 {strides = array<i32>} : memref<256x2048xf32, #tpu.memory_space<vmem>>, vector<256x2048xf32>,
    %scan3A_554 = arith.constant 0 : i32
    %scan3A_555 = arith.constant 256 : i32
    %scan3A_556 = arith.addi %scan3A_554, %scan3A_555 : i32
    %scan3A_557 = arith.constant 1 : i32
    %scan3A_558 = scf.for %scan3A_715 = %scan3A_554 to %scan3A_556 step %scan3A_557 iter_args(%scan3A_716 = %scan3A_499) -> (vector<1x2048xf32>)  : i32 {
      %add3A_717 = arith.constant 1536 : i32
      %add3A_718 = arith.addi %add3A_717, %scan3A_715 : i32
      %eq3A_719 = vector.broadcast %add3A_718 : i32 to vector<1x2048xi32>
      %eq3A_720 = arith.cmpi eq, %iota3A, %eq3A_719 : vector<1x2048xi32>
      %jit3A_721 = arith.constant 1.000000e+00 : f32
      %jit3A_722 = arith.constant 0.000000e+00 : f32
      %broadcast_in_dim3A_723 = vector.broadcast %jit3A_721 : f32 to vector<1x2048xf32>
      %broadcast_in_dim3A_724 = vector.broadcast %jit3A_722 : f32 to vector<1x2048xf32>
      %select_n3A_725 = arith.select %eq3A_720, %broadcast_in_dim3A_723, %broadcast_in_dim3A_724 : vector<1x2048xi1>, vector<1x2048xf32>
      %mul3A_726 = arith.mulf %scan3A_716, %select_n3A_725 : vector<1x2048xf32>
      %reduce_sum3A = vector.shape_cast %mul3A_726 : vector<1x2048xf32> to vector<1x1x2048xf32>
      %reduce_sum3A_727 = arith.constant dense<0.000000e+00> : vector<1xf32>
      %reduce_sum3A_728 = vector.multi_reduction <add>, %reduce_sum3A, %reduce_sum3A_727 [1, 2] : vector<1x1x2048xf32> to vector<1xf32>
      %reduce_sum3A_729 = vector.shape_cast %reduce_sum3A_728 : vector<1xf32> to vector<1x1x1xf32>
      %reduce_sum3A_730 = vector.extract %reduce_sum3A_729[0, 0, 0] : f32 from vector<1x1x1xf32>
      %get3A_731 = arith.index_cast %scan3A_715 : i32 to index
      %get3A_732 = arith.constant 0 : index
      %get3A_733 = vector.load %arg4[%get3A_731, %get3A_732] : memref<256x2048xf32, #tpu.memory_space<vmem>>, vector<1x2048xf32>
      %mul3A_734 = vector.broadcast %reduce_sum3A_730 : f32 to vector<1x2048xf32>
      %mul3A_735 = arith.mulf %mul3A_734, %get3A_733 : vector<1x2048xf32>
      %sub3A_736 = arith.constant 1.000000e+00 : f32
      %sub3A_737 = vector.broadcast %sub3A_736 : f32 to vector<1x2048xf32>
      %sub3A_738 = arith.subf %sub3A_737, %mul3A_735 : vector<1x2048xf32>
      %mul3A_739 = arith.mulf %scan3A_716, %sub3A_738 : vector<1x2048xf32>
      scf.yield %mul3A_739 : vector<1x2048xf32>
    }
    %scan3A_559 = arith.constant 256 : i32
    %slice3A_560 = vector.extract_strided_slice %min3A_145 {offsets = [1792, 0], sizes = [256, 1], strides = [1, 1]} : vector<2048x1xf32> to vector<256x1xf32>
    %slice3A_561 = vector.extract_strided_slice %min3A_146 {offsets = [1792, 0], sizes = [256, 1], strides = [1, 1]} : vector<2048x1xf32> to vector<256x1xf32>
    %slice3A_562 = vector.extract_strided_slice %min3A_147 {offsets = [1792, 0], sizes = [256, 1], strides = [1, 1]} : vector<2048x1xf32> to vector<256x1xf32>
    %slice3A_563 = vector.extract_strided_slice %min3A_148 {offsets = [1792, 0], sizes = [256, 1], strides = [1, 1]} : vector<2048x1xf32> to vector<256x1xf32>
    %slice3A_564 = vector.extract_strided_slice %mul3A_151 {offsets = [1792, 0], sizes = [256, 1], strides = [1, 1]} : vector<2048x1xf32> to vector<256x1xf32>
    %max3A_565 = vector.broadcast %slice3A_560 : vector<256x1xf32> to vector<256x2048xf32>
    %max3A_566 = vector.broadcast %min3A_69 : vector<1x2048xf32> to vector<256x2048xf32>
    %max3A_567 = arith.maximumf %max3A_565, %max3A_566 : vector<256x2048xf32>
    %max3A_568 = vector.broadcast %slice3A_561 : vector<256x1xf32> to vector<256x2048xf32>
    %max3A_569 = vector.broadcast %min3A_70 : vector<1x2048xf32> to vector<256x2048xf32>
    %max3A_570 = arith.maximumf %max3A_568, %max3A_569 : vector<256x2048xf32>
    %min3A_571 = vector.broadcast %slice3A_562 : vector<256x1xf32> to vector<256x2048xf32>
    %min3A_572 = vector.broadcast %min3A_71 : vector<1x2048xf32> to vector<256x2048xf32>
    %min3A_573 = arith.minimumf %min3A_571, %min3A_572 : vector<256x2048xf32>
    %min3A_574 = vector.broadcast %slice3A_563 : vector<256x1xf32> to vector<256x2048xf32>
    %min3A_575 = vector.broadcast %min3A_72 : vector<1x2048xf32> to vector<256x2048xf32>
    %min3A_576 = arith.minimumf %min3A_574, %min3A_575 : vector<256x2048xf32>
    %sub3A_577 = arith.subf %min3A_573, %max3A_567 : vector<256x2048xf32>
    %jit3A_578 = arith.constant 0.000000e+00 : f32
    %max3A_579 = vector.broadcast %jit3A_578 : f32 to vector<256x2048xf32>
    %max3A_580 = arith.maximumf %max3A_579, %sub3A_577 : vector<256x2048xf32>
    %sub3A_581 = arith.subf %min3A_576, %max3A_570 : vector<256x2048xf32>
    %jit3A_582 = arith.constant 0.000000e+00 : f32
    %max3A_583 = vector.broadcast %jit3A_582 : f32 to vector<256x2048xf32>
    %max3A_584 = arith.maximumf %max3A_583, %sub3A_581 : vector<256x2048xf32>
    %mul3A_585 = arith.mulf %max3A_580, %max3A_584 : vector<256x2048xf32>
    %add3A_586 = vector.broadcast %slice3A_564 : vector<256x1xf32> to vector<256x2048xf32>
    %add3A_587 = vector.broadcast %mul3A_76 : vector<1x2048xf32> to vector<256x2048xf32>
    %add3A_588 = arith.addf %add3A_586, %add3A_587 : vector<256x2048xf32>
    %sub3A_589 = arith.subf %add3A_588, %mul3A_585 : vector<256x2048xf32>
    %add3A_590 = arith.constant 9.99999971E-10 : f32
    %add3A_591 = vector.broadcast %add3A_590 : f32 to vector<256x2048xf32>
    %add3A_592 = arith.addf %sub3A_589, %add3A_591 : vector<256x2048xf32>
    %div3A_593 = arith.divf %mul3A_585, %add3A_592 : vector<256x2048xf32>
    %iota3A_594 = tpu.iota {dimensions = array<i32: 0>} : vector<256x1xi32>
    %add3A_595 = arith.constant 1792 : i32
    %add3A_596 = vector.broadcast %add3A_595 : i32 to vector<256x1xi32>
    %add3A_597 = arith.addi %add3A_596, %iota3A_594 : vector<256x1xi32>
    %gt3A_598 = arith.constant 0.699999988 : f32
    %gt3A_599 = vector.broadcast %gt3A_598 : f32 to vector<256x2048xf32>
    %gt3A_600 = arith.cmpf ogt, %div3A_593, %gt3A_599 : vector<256x2048xf32>
    %gt3A_601 = vector.broadcast %iota3A : vector<1x2048xi32> to vector<256x2048xi32>
    %gt3A_602 = vector.broadcast %add3A_597 : vector<256x1xi32> to vector<256x2048xi32>
    %gt3A_603 = arith.cmpi sgt, %gt3A_601, %gt3A_602 : vector<256x2048xi32>
    %and3A_604 = arith.andi %gt3A_600, %gt3A_603 : vector<256x2048xi1>
    %jit3A_605 = arith.constant 1.000000e+00 : f32
    %jit3A_606 = arith.constant 0.000000e+00 : f32
    %broadcast_in_dim3A_607 = vector.broadcast %jit3A_605 : f32 to vector<256x2048xf32>
    %broadcast_in_dim3A_608 = vector.broadcast %jit3A_606 : f32 to vector<256x2048xf32>
    %select_n3A_609 = arith.select %and3A_604, %broadcast_in_dim3A_607, %broadcast_in_dim3A_608 : vector<256x2048xi1>, vector<256x2048xf32>
    %swap3A_610 = arith.constant 0 : index
    %swap3A_611 = arith.constant 0 : index
    %swap3A_612 = vector.load %arg4[%swap3A_610, %swap3A_611] : memref<256x2048xf32, #tpu.memory_space<vmem>>, vector<256x2048xf32>
    tpu.vector_store %arg4[%swap3A_610, %swap3A_611], %select_n3A_609 {strides = array<i32>} : memref<256x2048xf32, #tpu.memory_space<vmem>>, vector<256x2048xf32>,
    %scan3A_613 = arith.constant 0 : i32
    %scan3A_614 = arith.constant 256 : i32
    %scan3A_615 = arith.addi %scan3A_613, %scan3A_614 : i32
    %scan3A_616 = arith.constant 1 : i32
    %scan3A_617 = scf.for %scan3A_715 = %scan3A_613 to %scan3A_615 step %scan3A_616 iter_args(%scan3A_716 = %scan3A_558) -> (vector<1x2048xf32>)  : i32 {
      %add3A_717 = arith.constant 1792 : i32
      %add3A_718 = arith.addi %add3A_717, %scan3A_715 : i32
      %eq3A_719 = vector.broadcast %add3A_718 : i32 to vector<1x2048xi32>
      %eq3A_720 = arith.cmpi eq, %iota3A, %eq3A_719 : vector<1x2048xi32>
      %jit3A_721 = arith.constant 1.000000e+00 : f32
      %jit3A_722 = arith.constant 0.000000e+00 : f32
      %broadcast_in_dim3A_723 = vector.broadcast %jit3A_721 : f32 to vector<1x2048xf32>
      %broadcast_in_dim3A_724 = vector.broadcast %jit3A_722 : f32 to vector<1x2048xf32>
      %select_n3A_725 = arith.select %eq3A_720, %broadcast_in_dim3A_723, %broadcast_in_dim3A_724 : vector<1x2048xi1>, vector<1x2048xf32>
      %mul3A_726 = arith.mulf %scan3A_716, %select_n3A_725 : vector<1x2048xf32>
      %reduce_sum3A = vector.shape_cast %mul3A_726 : vector<1x2048xf32> to vector<1x1x2048xf32>
      %reduce_sum3A_727 = arith.constant dense<0.000000e+00> : vector<1xf32>
      %reduce_sum3A_728 = vector.multi_reduction <add>, %reduce_sum3A, %reduce_sum3A_727 [1, 2] : vector<1x1x2048xf32> to vector<1xf32>
      %reduce_sum3A_729 = vector.shape_cast %reduce_sum3A_728 : vector<1xf32> to vector<1x1x1xf32>
      %reduce_sum3A_730 = vector.extract %reduce_sum3A_729[0, 0, 0] : f32 from vector<1x1x1xf32>
      %get3A_731 = arith.index_cast %scan3A_715 : i32 to index
      %get3A_732 = arith.constant 0 : index
      %get3A_733 = vector.load %arg4[%get3A_731, %get3A_732] : memref<256x2048xf32, #tpu.memory_space<vmem>>, vector<1x2048xf32>
      %mul3A_734 = vector.broadcast %reduce_sum3A_730 : f32 to vector<1x2048xf32>
      %mul3A_735 = arith.mulf %mul3A_734, %get3A_733 : vector<1x2048xf32>
      %sub3A_736 = arith.constant 1.000000e+00 : f32
      %sub3A_737 = vector.broadcast %sub3A_736 : f32 to vector<1x2048xf32>
      %sub3A_738 = arith.subf %sub3A_737, %mul3A_735 : vector<1x2048xf32>
      %mul3A_739 = arith.mulf %scan3A_716, %sub3A_738 : vector<1x2048xf32>
      scf.yield %mul3A_739 : vector<1x2048xf32>
    }
    %scan3A_618 = arith.constant 256 : i32
    %gt3A_619 = arith.constant -5.000000e-01 : f32
    %gt3A_620 = vector.broadcast %gt3A_619 : f32 to vector<1x2048xf32>
    %gt3A_621 = arith.cmpf ogt, %slice3A_73, %gt3A_620 : vector<1x2048xf32>
    %jit3A_622 = arith.constant 1.000000e+00 : f32
    %jit3A_623 = arith.constant 0.000000e+00 : f32
    %broadcast_in_dim3A_624 = vector.broadcast %jit3A_622 : f32 to vector<1x2048xf32>
    %broadcast_in_dim3A_625 = vector.broadcast %jit3A_623 : f32 to vector<1x2048xf32>
    %select_n3A_626 = arith.select %gt3A_621, %broadcast_in_dim3A_624, %broadcast_in_dim3A_625 : vector<1x2048xi1>, vector<1x2048xf32>
    %mul3A_627 = arith.mulf %scan3A_617, %select_n3A_626 : vector<1x2048xf32>
    %broadcast_in_dim3A_628 = arith.constant 0.000000e+00 : f32
    %broadcast_in_dim3A_629 = vector.broadcast %broadcast_in_dim3A_628 : f32 to vector<1x1xf32>
    %slice3A_630 = vector.extract_strided_slice %mul3A_627 {offsets = [0, 0], sizes = [1, 2047], strides = [1, 1]} : vector<1x2048xf32> to vector<1x2047xf32>
    %concatenate3A = tpu.concatenate %broadcast_in_dim3A_629, %slice3A_630 in 1 : vector<1x1xf32>, vector<1x2047xf32> -> vector<1x2048xf32>
    %add3A_631 = arith.addf %mul3A_627, %concatenate3A : vector<1x2048xf32>
    %broadcast_in_dim3A_632 = arith.constant 0.000000e+00 : f32
    %broadcast_in_dim3A_633 = vector.broadcast %broadcast_in_dim3A_632 : f32 to vector<1x2xf32>
    %slice3A_634 = vector.extract_strided_slice %add3A_631 {offsets = [0, 0], sizes = [1, 2046], strides = [1, 1]} : vector<1x2048xf32> to vector<1x2046xf32>
    %concatenate3A_635 = tpu.concatenate %broadcast_in_dim3A_633, %slice3A_634 in 1 : vector<1x2xf32>, vector<1x2046xf32> -> vector<1x2048xf32>
    %add3A_636 = arith.addf %add3A_631, %concatenate3A_635 : vector<1x2048xf32>
    %broadcast_in_dim3A_637 = arith.constant 0.000000e+00 : f32
    %broadcast_in_dim3A_638 = vector.broadcast %broadcast_in_dim3A_637 : f32 to vector<1x4xf32>
    %slice3A_639 = vector.extract_strided_slice %add3A_636 {offsets = [0, 0], sizes = [1, 2044], strides = [1, 1]} : vector<1x2048xf32> to vector<1x2044xf32>
    %concatenate3A_640 = tpu.concatenate %broadcast_in_dim3A_638, %slice3A_639 in 1 : vector<1x4xf32>, vector<1x2044xf32> -> vector<1x2048xf32>
    %add3A_641 = arith.addf %add3A_636, %concatenate3A_640 : vector<1x2048xf32>
    %broadcast_in_dim3A_642 = arith.constant 0.000000e+00 : f32
    %broadcast_in_dim3A_643 = vector.broadcast %broadcast_in_dim3A_642 : f32 to vector<1x8xf32>
    %slice3A_644 = vector.extract_strided_slice %add3A_641 {offsets = [0, 0], sizes = [1, 2040], strides = [1, 1]} : vector<1x2048xf32> to vector<1x2040xf32>
    %concatenate3A_645 = tpu.concatenate %broadcast_in_dim3A_643, %slice3A_644 in 1 : vector<1x8xf32>, vector<1x2040xf32> -> vector<1x2048xf32>
    %add3A_646 = arith.addf %add3A_641, %concatenate3A_645 : vector<1x2048xf32>
    %broadcast_in_dim3A_647 = arith.constant 0.000000e+00 : f32
    %broadcast_in_dim3A_648 = vector.broadcast %broadcast_in_dim3A_647 : f32 to vector<1x16xf32>
    %slice3A_649 = vector.extract_strided_slice %add3A_646 {offsets = [0, 0], sizes = [1, 2032], strides = [1, 1]} : vector<1x2048xf32> to vector<1x2032xf32>
    %concatenate3A_650 = tpu.concatenate %broadcast_in_dim3A_648, %slice3A_649 in 1 : vector<1x16xf32>, vector<1x2032xf32> -> vector<1x2048xf32>
    %add3A_651 = arith.addf %add3A_646, %concatenate3A_650 : vector<1x2048xf32>
    %broadcast_in_dim3A_652 = arith.constant 0.000000e+00 : f32
    %broadcast_in_dim3A_653 = vector.broadcast %broadcast_in_dim3A_652 : f32 to vector<1x32xf32>
    %slice3A_654 = vector.extract_strided_slice %add3A_651 {offsets = [0, 0], sizes = [1, 2016], strides = [1, 1]} : vector<1x2048xf32> to vector<1x2016xf32>
    %concatenate3A_655 = tpu.concatenate %broadcast_in_dim3A_653, %slice3A_654 in 1 : vector<1x32xf32>, vector<1x2016xf32> -> vector<1x2048xf32>
    %add3A_656 = arith.addf %add3A_651, %concatenate3A_655 : vector<1x2048xf32>
    %broadcast_in_dim3A_657 = arith.constant 0.000000e+00 : f32
    %broadcast_in_dim3A_658 = vector.broadcast %broadcast_in_dim3A_657 : f32 to vector<1x64xf32>
    %slice3A_659 = vector.extract_strided_slice %add3A_656 {offsets = [0, 0], sizes = [1, 1984], strides = [1, 1]} : vector<1x2048xf32> to vector<1x1984xf32>
    %concatenate3A_660 = tpu.concatenate %broadcast_in_dim3A_658, %slice3A_659 in 1 : vector<1x64xf32>, vector<1x1984xf32> -> vector<1x2048xf32>
    %add3A_661 = arith.addf %add3A_656, %concatenate3A_660 : vector<1x2048xf32>
    %broadcast_in_dim3A_662 = arith.constant 0.000000e+00 : f32
    %broadcast_in_dim3A_663 = vector.broadcast %broadcast_in_dim3A_662 : f32 to vector<1x128xf32>
    %slice3A_664 = vector.extract_strided_slice %add3A_661 {offsets = [0, 0], sizes = [1, 1920], strides = [1, 1]} : vector<1x2048xf32> to vector<1x1920xf32>
    %concatenate3A_665 = tpu.concatenate %broadcast_in_dim3A_663, %slice3A_664 in 1 : vector<1x128xf32>, vector<1x1920xf32> -> vector<1x2048xf32>
    %add3A_666 = arith.addf %add3A_661, %concatenate3A_665 : vector<1x2048xf32>
    %broadcast_in_dim3A_667 = arith.constant 0.000000e+00 : f32
    %broadcast_in_dim3A_668 = vector.broadcast %broadcast_in_dim3A_667 : f32 to vector<1x256xf32>
    %slice3A_669 = vector.extract_strided_slice %add3A_666 {offsets = [0, 0], sizes = [1, 1792], strides = [1, 1]} : vector<1x2048xf32> to vector<1x1792xf32>
    %concatenate3A_670 = tpu.concatenate %broadcast_in_dim3A_668, %slice3A_669 in 1 : vector<1x256xf32>, vector<1x1792xf32> -> vector<1x2048xf32>
    %add3A_671 = arith.addf %add3A_666, %concatenate3A_670 : vector<1x2048xf32>
    %broadcast_in_dim3A_672 = arith.constant 0.000000e+00 : f32
    %broadcast_in_dim3A_673 = vector.broadcast %broadcast_in_dim3A_672 : f32 to vector<1x512xf32>
    %slice3A_674 = vector.extract_strided_slice %add3A_671 {offsets = [0, 0], sizes = [1, 1536], strides = [1, 1]} : vector<1x2048xf32> to vector<1x1536xf32>
    %concatenate3A_675 = tpu.concatenate %broadcast_in_dim3A_673, %slice3A_674 in 1 : vector<1x512xf32>, vector<1x1536xf32> -> vector<1x2048xf32>
    %add3A_676 = arith.addf %add3A_671, %concatenate3A_675 : vector<1x2048xf32>
    %broadcast_in_dim3A_677 = arith.constant 0.000000e+00 : f32
    %broadcast_in_dim3A_678 = vector.broadcast %broadcast_in_dim3A_677 : f32 to vector<1x1024xf32>
    %slice3A_679 = vector.extract_strided_slice %add3A_676 {offsets = [0, 0], sizes = [1, 1024], strides = [1, 1]} : vector<1x2048xf32> to vector<1x1024xf32>
    %concatenate3A_680 = tpu.concatenate %broadcast_in_dim3A_678, %slice3A_679 in 1 : vector<1x1024xf32>, vector<1x1024xf32> -> vector<1x2048xf32>
    %add3A_681 = arith.addf %add3A_676, %concatenate3A_680 : vector<1x2048xf32>
    %sub3A_682 = arith.subf %add3A_681, %mul3A_627 : vector<1x2048xf32>
    %lt3A = arith.constant 1.024000e+03 : f32
    %lt3A_683 = vector.broadcast %lt3A : f32 to vector<1x2048xf32>
    %lt3A_684 = arith.cmpf olt, %sub3A_682, %lt3A_683 : vector<1x2048xf32>
    %jit3A_685 = arith.constant 1.000000e+00 : f32
    %jit3A_686 = arith.constant 0.000000e+00 : f32
    %broadcast_in_dim3A_687 = vector.broadcast %jit3A_685 : f32 to vector<1x2048xf32>
    %broadcast_in_dim3A_688 = vector.broadcast %jit3A_686 : f32 to vector<1x2048xf32>
    %select_n3A_689 = arith.select %lt3A_684, %broadcast_in_dim3A_687, %broadcast_in_dim3A_688 : vector<1x2048xi1>, vector<1x2048xf32>
    %mul3A_690 = arith.mulf %mul3A_627, %select_n3A_689 : vector<1x2048xf32>
    %iota3A_691 = tpu.iota {dimensions = array<i32: 0>} : vector<1024x2048xi32>
    %convert_element_type3A = arith.fptosi %sub3A_682 : vector<1x2048xf32> to vector<1x2048xi32>
    %broadcast_in_dim3A_692 = vector.shape_cast %convert_element_type3A : vector<1x2048xi32> to vector<1x2048xi32>
    %broadcast_in_dim3A_693 = vector.broadcast %broadcast_in_dim3A_692 : vector<1x2048xi32> to vector<1024x2048xi32>
    %broadcast_in_dim3A_694 = vector.shape_cast %mul3A_690 : vector<1x2048xf32> to vector<1x2048xf32>
    %broadcast_in_dim3A_695 = vector.broadcast %broadcast_in_dim3A_694 : vector<1x2048xf32> to vector<1024x2048xf32>
    %eq3A = arith.cmpi eq, %iota3A_691, %broadcast_in_dim3A_693 : vector<1024x2048xi32>
    %jit3A_696 = arith.constant 1.000000e+00 : f32
    %jit3A_697 = arith.constant 0.000000e+00 : f32
    %broadcast_in_dim3A_698 = vector.broadcast %jit3A_696 : f32 to vector<1024x2048xf32>
    %broadcast_in_dim3A_699 = vector.broadcast %jit3A_697 : f32 to vector<1024x2048xf32>
    %select_n3A_700 = arith.select %eq3A, %broadcast_in_dim3A_698, %broadcast_in_dim3A_699 : vector<1024x2048xi1>, vector<1024x2048xf32>
    %mul3A_701 = arith.mulf %select_n3A_700, %broadcast_in_dim3A_695 : vector<1024x2048xf32>
    %broadcast_in_dim3A_702 = arith.constant 1.000000e+00 : f32
    %broadcast_in_dim3A_703 = vector.broadcast %broadcast_in_dim3A_702 : f32 to vector<2048x1xf32>
    %slice3A_704 = vector.extract_strided_slice %get3A_8 {offsets = [0, 10], sizes = [2048, 1], strides = [1, 1]} : vector<2048x128xf32> to vector<2048x1xf32>
    %broadcast_in_dim3A_705 = arith.constant 0.000000e+00 : f32
    %broadcast_in_dim3A_706 = vector.broadcast %broadcast_in_dim3A_705 : f32 to vector<2048x122xf32>
    %concatenate3A_707 = tpu.concatenate %min3A_145, %min3A_146, %min3A_147, %min3A_148, %slice3A_704, %broadcast_in_dim3A_703, %broadcast_in_dim3A_706 in 1 : vector<2048x1xf32>, vector<2048x1xf32>, vector<2048x1xf32>, vector<2048x1xf32>, vector<2048x1xf32>, vector<2048x1xf32>, vector<2048x122xf32> -> vector<2048x128xf32>
    %dot_general3A = arith.constant dense<0.000000e+00> : vector<1024x128xf32>
    %dot_general3A_708 = tpu.matmul %mul3A_701, %concatenate3A_707, %dot_general3A {dimension_numbers = #tpu.dot_dimension_numbers<[1], [0], [0], [1], [0, 0, 1, 1], [], []>, transpose_lhs_hint = false} : vector<1024x2048xf32>, vector<2048x128xf32>, vector<1024x128xf32> -> vector<1024x128xf32>
    %swap3A_709 = arith.constant 0 : index
    %swap3A_710 = arith.constant 0 : index
    %swap3A_711 = arith.constant 0 : index
    %swap3A_712 = vector.load %arg3[%swap3A_709, %swap3A_710, %swap3A_711] : memref<1x1024x128xf32, #tpu.memory_space<vmem>>, vector<1x1024x128xf32>
    %swap3A_713 = vector.shape_cast %swap3A_712 : vector<1x1024x128xf32> to vector<1024x128xf32>
    %swap3A_714 = vector.shape_cast %dot_general3A_708 : vector<1024x128xf32> to vector<1x1024x128xf32>
    tpu.vector_store %arg3[%swap3A_709, %swap3A_710, %swap3A_711], %swap3A_714 {strides = array<i32>} : memref<1x1024x128xf32, #tpu.memory_space<vmem>>, vector<1x1024x128xf32>,
    return
  }
  func.func @transform_0(%arg0: i32) -> (i32, i32, i32) {
    %c0_i32 = arith.constant 0 : i32
    %c0_i32_0 = arith.constant 0 : i32
    %c0_i32_1 = arith.constant 0 : i32
    return %arg0, %c0_i32, %c0_i32_0 : i32, i32, i32
  }
  func.func @transform_1(%arg0: i32) -> (i32, i32, i32) {
    %c0_i32 = arith.constant 0 : i32
    %c0_i32_0 = arith.constant 0 : i32
    %c0_i32_1 = arith.constant 0 : i32
    return %arg0, %c0_i32, %c0_i32_0 : i32, i32, i32
  }
  func.func @transform_2(%arg0: i32) -> (i32, i32, i32) {
    %c0_i32 = arith.constant 0 : i32
    %c0_i32_0 = arith.constant 0 : i32
    %c0_i32_1 = arith.constant 0 : i32
    return %arg0, %c0_i32, %c0_i32_0 : i32, i32, i32
  }
}

</mosaic_0001>

<sc_bundles>
// kernel: gather_offload_async_start.1
scs
__scs_entry_jumppad:
0x0: {  	(pc) =	sbr.rel $0x88, $3  }
0x1: {  	(tag) =	ssettag $0x0;
	lr =	simm.s32 $0x1  }
0x2: {  	[smem:$0x3F9E] =	sst lr;
	_ =	strace $0xD0000000  }
0x3: {  	_ = 	snop  }
0x4: {  	_ = 	snop  }
0x5: {  	_ = 	snop  }
0x6: {  	_ = 	snop  }
0x7: {  	_ = 	snop  }
__scs_overlays_trampoline_lowered:
0x8: {  	[smem:$0x3FAD] =	sst s0  }
0x9: {  	[smem:$0x3FAE] =	sst s1  }
0xa: {  	[smem:$0x3FAF] =	sst s2  }
0xb: {  	[smem:$0x3FB0] =	sst s3  }
0xc: {  	[smem:$0x3FB1] =	sst s4  }
0xd: {  	[smem:$0x3FB2] =	sst s5  }
0xe: {  	[smem:$0x3FB3] =	sst s6  }
0xf: {  	[smem:$0x3FB4] =	sst s7  }
0x10: {  	[smem:$0x3FB5] =	sst s8  }
0x11: {  	[smem:$0x3FB6] =	sst s9;
	s0 =	simm.s32 @!p0 $0x0  }
0x12: {  	s1 =	sld [smem:$0x3F9C];
	s0 =	simm.s32 @p0 $0x1  }
0x13: {  	[smem:$0x3FB7] =	sst s0;
	s0 =	simm.s32 @!p1 $0x0  }
0x14: {  	s2 =	sld [smem:$0x3F9B];
	s0 =	simm.s32 @p1 $0x1  }
0x15: {  	[smem:$0x3FB8] =	sst s0;
	s0 =	simm.s32 @!p2 $0x0  }
0x16: {  	s3 =	sld [smem:$0x3FDB];
	s0 =	simm.s32 @p2 $0x1  }
0x17: {  	s4 =	simm.s32 $0x1BF5;
	[smem:$0x3FBA] =	sst s0  }
0x18: {  	s0 =	sld [smem:$0x3F9D];
	_ =	swait.ge [sflag:s4], $0x0  }
0x19: {  	s7 =	sld [smem:$0x3F9E]  }
0x1a: {  	s8 =	sadd.s32 $0xFFFFE003, lr  }
0x1b: {  	s9 =	sadd.s32 $0xFFFFFEF7, lr;
	s5 =	simm.s32 $0xFFFFFFFF;
	p2 =	slt.u32 s8, $0xFFFFF086  }
0x1c: {  	p1 =	slt.u32 s9, $0xF7A;
	s5 =	simm.s32 @!p2 $0x0  }
0x1d: {  	s5 =	simm.s32 @p1 $0x1;
	p0 =	seq.s32 s7, s2  }
0x1e: {  	s7 =	smul.u32 @!p0 $0xF7A, s2;
	p2 =	seq.s32 @!p0 s5, $0x0  }
0x1f: {  	s9 =	smul.u32 $0xF7A, s1;
	s8 =	simm.s32 @!p0 $0x1BF5;
	p2 =	por !p2, p0  }
0x20: {  	[sflag:s8] =	ssyncset.s32 @!p0 $0xFFFFF086;
	s6 =	sadd.s32 @!p0 s3, s7;
	s7 =	simm.s32 @!p0 $0x108  }
0x21: {  	s3 =	sadd.s32 s3, s9;
	s6 =	sadd.s32 @!p0 $0x88, s6;
	s7 =	simm.s32 @p2 $0x1082  }
0x22: {  	[simem:s7], [sflag:s8] =	dma.local @!p0 [hbm:s6], $0xF7A  }
0x23: {  	s9 =	sor.u32 $0xD0000000, s2;
	s6 =	simm.s32 $0x108;
	_ =	swait.ge @!p0 [sflag:s8], $0x0  }
0x24: {  	s3 =	sadd.s32 $0x88, s3;
	s6 =	simm.s32 @!p1 $0x1082;
	[sflag:s4] =	ssyncset.s32 $0xFFFFF086  }
0x25: {  	[simem:s6], [sflag:s4] =	dma.local [hbm:s3], $0xF7A  }
0x26: {  	[smem:$0x3F9E] =	sst s1;
	(tag) =	ssettag s2;
	_ =	strace s9  }
0x27: {  	s1 =	sld [smem:$0x3FAE]  }
0x28: {  	s2 =	sld [smem:$0x3FAF]  }
0x29: {  	s4 =	sld [smem:$0x3FB1]  }
0x2a: {  	p0 =	seq.s32 s5, $0x0;
	s5 =	sld [smem:$0x3FB2]  }
0x2b: {  	s6 =	sld [smem:$0x3FB3]  }
0x2c: {  	s7 =	sld [smem:$0x3FB4]  }
0x2d: {  	s3 =	simm.s32 $0x108;
	s8 =	sld [smem:$0x3FB5]  }
0x2e: {  	s3 =	simm.s32 @!p0 $0x1082;
	s9 =	sld [smem:$0x3FB6]  }
0x2f: {  	lr =	sadd.s32 s0, s3;
	s0 =	sld [smem:$0x3FAD]  }
0x30: {  	s3 =	sld [smem:$0x3FB0]  }
0x31: {  	[smem:$0x3FB9] =	sst s10  }
0x32: {  	s10 =	sld [smem:$0x3FB7];
	_ =	sdelay $0x3  }
0x33: {  	p0 =	seq.s32 s10, $0x1;
	s10 =	sld [smem:$0x3FB9];
	_ =	sdelay $0x3  }
0x34: {  	[smem:$0x3FB9] =	sst s10  }
0x35: {  	s10 =	sld [smem:$0x3FB8];
	_ =	sdelay $0x3  }
0x36: {  	p1 =	seq.s32 s10, $0x1;
	s10 =	sld [smem:$0x3FB9];
	_ =	sdelay $0x3  }
0x37: {  	[smem:$0x3FB9] =	sst s10  }
0x38: {  	s10 =	sld [smem:$0x3FBA]  }
0x39: {  	_ = 	snop;
	(pc) =	sbr.ind lr, $3  }
0x3a: {  	_ = 	snop  }
0x3b: {  	_ = 	snop  }
0x3c: {  	p2 =	seq.s32 s10, $0x1;
	s10 =	sld [smem:$0x3FB9]  }
0x3d: {  	_ =	shalt  }
0x3e: {  	_ =	shalt  }
0x3f: {  	_ =	shalt  }
0x40: {  	_ =	shalt  }
0x41: {  	_ =	shalt  }
0x42: {  	_ =	shalt  }
0x43: {  	_ =	shalt  }
0x44: {  	_ =	shalt  }
0x45: {  	_ =	shalt  }
0x46: {  	_ =	shalt  }
0x47: {  	_ =	shalt  }
0x48: {  	_ =	shalt  }
0x49: {  	_ =	shalt  }
0x4a: {  	_ =	shalt  }
0x4b: {  	_ =	shalt  }
0x4c: {  	_ =	shalt  }
0x4d: {  	_ =	shalt  }
0x4e: {  	_ =	shalt  }
0x4f: {  	_ =	shalt  }
0x50: {  	_ =	shalt  }
0x51: {  	_ =	shalt  }
0x52: {  	_ =	shalt  }
0x53: {  	_ =	shalt  }
0x54: {  	_ =	shalt  }
0x55: {  	_ =	shalt  }
0x56: {  	_ =	shalt  }
0x57: {  	_ =	shalt  }
0x58: {  	_ =	shalt  }
0x59: {  	_ =	shalt  }
0x5a: {  	_ =	shalt  }
0x5b: {  	_ =	shalt  }
0x5c: {  	_ =	shalt  }
0x5d: {  	_ =	shalt  }
0x5e: {  	_ =	shalt  }
0x5f: {  	_ =	shalt  }
0x60: {  	_ =	shalt  }
0x61: {  	_ =	shalt  }
0x62: {  	_ =	shalt  }
0x63: {  	_ =	shalt  }
0x64: {  	_ =	shalt  }
0x65: {  	_ =	shalt  }
0x66: {  	_ =	shalt  }
0x67: {  	_ =	shalt  }
0x68: {  	_ =	shalt  }
0x69: {  	_ =	shalt  }
0x6a: {  	_ =	shalt  }
0x6b: {  	_ =	shalt  }
0x6c: {  	_ =	shalt  }
0x6d: {  	_ =	shalt  }
0x6e: {  	_ =	shalt  }
0x6f: {  	_ =	shalt  }
0x70: {  	_ =	shalt  }
0x71: {  	_ =	shalt  }
0x72: {  	_ =	shalt  }
0x73: {  	_ =	shalt  }
0x74: {  	_ =	shalt  }
0x75: {  	_ =	shalt  }
0x76: {  	_ =	shalt  }
0x77: {  	_ =	shalt  }
0x78: {  	_ =	shalt  }
0x79: {  	_ =	shalt  }
0x7a: {  	_ =	shalt  }
0x7b: {  	_ =	shalt  }
0x7c: {  	_ =	shalt  }
0x7d: {  	_ =	shalt  }
0x7e: {  	_ =	shalt  }
0x7f: {  	_ =	shalt  }
0x80: {  	_ =	shalt  }
0x81: {  	_ =	shalt  }
0x82: {  	_ =	shalt  }
0x83: {  	_ =	shalt  }
0x84: {  	_ =	shalt  }
0x85: {  	_ =	shalt  }
0x86: {  	_ =	shalt  }
0x87: {  	_ =	shalt  }
.Lfunc_end0:
.L_simem_size_0:
called_computation.1_lowered:
.L_overlay_start_0:
0x88: {  	s2 =	sld [smem:$0x3FD9]  }
0x89: {  	s3 =	sld [smem:$0x3FFE];
	_ =	sdelay $0x1  }
0x8a: {  	s1 =	srdreg.scid  }
0x8b: {  	s0 =	sand.u32 $0x1, s1  }
0x8c: {  	s14 =	sshll.u32 s0, $0xA;
	s2 =	sadd.s32 s3, s2  }
0x8d: {  	s2 =	sadd.s32 s2, s14  }
0x8e: {  	[smem:$0x3FC5] =	sst s2  }
0x8f: {  	_ = 	snop  }
0x90: {  	s2 =	sld [smem:$0x3FD0];
	_ =	sdelay $0x2  }
0x91: {  	s15 =	simm.s32 $0xA;
	s4 =	simm.s32 $0x10  }
0x92: {  	[smem:s4], [sflag:s15] =	dma.local [hbm:s2], $0x1  }
0x93: {  	_ =	swait.eq [sflag:s15], $0x1  }
0x94: {  	[sflag:s15] =	ssyncset.done $0x0  }
0x95: {  	[sflag:s15] =	ssyncadd.s32 $0xFFFFFFFF  }
0x96: {  	s16 =	sld [smem:$0x10];
	(tm) =	ssettm $0x1  }
0x97: {  	s17 =	sld [smem:$0x3FFB];
	_ =	sdelay $0x3  }
0x98: {  	_ =	strace s17  }
0x99: {  	s3 =	sld [smem:$0x3FFC];
	_ =	sdelay $0x3  }
0x9a: {  	_ =	strace s3  }
0x9b: {  	s3 =	sld [smem:$0x3FFD];
	_ =	sdelay $0x3  }
0x9c: {  	_ =	strace s3  }
0x9d: {  	_ =	strace $0x8FFFFFFF  }
0x9e: {  	s18 =	sld [smem:$0x3FDB];
	_ =	sdelay $0x1  }
0x9f: {  	s19 =	simm.s32 $_scs_section_size  }
0xa0: {  	s5 =	simm.s32 $_size__tile_overlayer_lowered;
	s6 =	simm.s32 $_tile_overlayer_lowered  }
0xa1: {  	s22 =	simm.s32 $0x1BFF;
	s21 =	sshll.u32 s6, $0x1;
	s3 =	sadd.s32 s19, s18  }
0xa2: {  	s7 =	simm.s32 $0x0;
	s20 =	sshll.u32 s5, $0x1;
	s5 =	sadd.s32 s21, s3  }
0xa3: {  	[timem:s7], [sflag:s22] =	dma.local [hbm:s5], s20  }
0xa4: {  	_ =	swait.ge [sflag:s22], s20  }
0xa5: {  	s4 =	ssub.s32 $0x0, s20;
	[sflag:s22] =	ssyncset.done $0x0  }
0xa6: {  	[sflag:s22] =	ssyncadd.s32 s4;
	_ =	sdelay $0x1  }
0xa7: {  	s23 =	simm.s32 $0x1B8B  }
0xa8: {  	_ =	swait.ge [sflag:s23], $0x1  }
0xa9: {  	[sflag:s23] =	ssyncset.done $0x0  }
0xaa: {  	s25 =	simm.s32 $0x1B8E;
	s24 =	sld [smem:$0x3FFE];
	[sflag:s23] =	ssyncadd.s32 $0xFFFFFFFF  }
0xab: {  	s26 =	simm.s32 $execute0_lowered;
	[smem:$0x3FD2] =	sst s25  }
0xac: {  	s5 =	sshll.u32 s26, $0x1;
	_ =	strace $0x80000046;
	[dreg:$0x1] =	wrdreg $0xFFFFFFFF  }
0xad: {  	s28 =	simm.s32 $_size_execute0_lowered;
	s3 =	sadd.s32 s3, s5;
	[dreg:$0x0] =	wrdreg $0x0  }
0xae: {  	s5 =	sshll.u32 s28, $0x1;
	[dreg:$0x2] =	wrdreg s3  }
0xaf: {  	[dreg:$0x3] =	wrdreg s5  }
0xb0: {  	[dreg:$0x4] =	wrdreg $0xC0  }
0xb1: {  	_ =	task [dreg:s7], $0x5FFFF  }
0xb2: {  	[dreg:$0x1] =	wrdreg $0xFFFFFFFF  }
0xb3: {  	[dreg:$0x0] =	wrdreg $0x60  }
0xb4: {  	[dreg:$0x2] =	wrdreg s24  }
0xb5: {  	[dreg:$0x3] =	wrdreg s16  }
0xb6: {  	[dreg:$0x4] =	wrdreg $0x9  }
0xb7: {  	_ =	task.clear_ibuf [dreg:s7], $0x5FFFF;
	_ =	strace $0x90000046  }
0xb8: {  	s29 =	simm.s32 $0x9;
	_ =	strace $0x80000048  }
0xb9: {  	_ =	swait.ge [sflag:s29], $0x1  }
0xba: {  	[sflag:s29] =	ssyncadd.s32 $0xFFFFFFFF  }
0xbb: {  	_ =	strace $0x90000048  }
0xbc: {  	_ =	sfence  }
0xbd: {  	s30 =	sld [smem:$0x0];
	_ =	sdelay $0x2  }
0xbe: {  	s31 =	sshll.u32 s1, $0xD;
	s1 =	sshrl.u32 s1, $0x2  }
0xbf: {  	s3 =	sand.u32 $0x4000, s31;
	s1 =	sadd.s32 s1, s30  }
0xc0: {  	s0 =	sor.u32 s3, s0;
	s1 =	sshll.u32 s1, $0x11  }
0xc1: {  	s0 =	sor.u32 s1, s0  }
0xc2: {  	s0 =	sadd.s32 $0x8F2B, s0  }
0xc3: {  	[sflag:s0] =	ssyncadd.remote.s32 $0x1  }
0xc4: {  	_ =	sfence.sel $0xFFFF  }
0xc5: {  	[dreg:$0x0] =	wrdreg $0xFFFFFFFF;
	(pc) =	sbr.abs _section_cstart, $3  }
0xc6: {  	[dreg:$0x1] =	wrdreg $0xFFFFFFFF  }
0xc7: {  	_ =	task.clear_ibuf [dreg:s7], $0x2FFFF;
	_ =	strace $0x9FFFFFFF  }
0xc8: {  	(tm) =	ssettm $0x7FFFFFFF  }
0xc9: {  	_ =	shalt  }
tec
execute0_lowered:
.L_overlay_start_1:
0x0: {  	(tag) =	ssettag $0x1  }
0x1: {  	s2 =	rddreg [dreg:$0x0];
	s0 =	srdreg.scid  }
0x2: {  	s8 =	rddreg [dreg:$0x1];
	s1 =	stileid.u32;
	s5 =	simm.s32 $0x1  }
0x3: {  	s6 =	simm.s32 $0x2;
	s10 =	simm.s32 $0x3;
	s3 =	sshll.u32 s0, $0x7  }
0x4: {  	s12 =	simm.s32 $0x0;
	s4 =	sshll.u32 s1, $0x8;
	s3 =	sand.u32 $0x80, s3  }
0x5: {  	s0 =	rddreg [dreg:$0x2];
	_ =	strace $0x80000047;
	s3 =	sor.u32 s4, s3  }
0x6: {  	s11 =	simm.s32 $0x0;
	[sflag:s5] =	ssyncpa.u1 $0x0;
	s7 =	ssub.s32 $0x1000, s3  }
.Ltmp0:
0x7: {  	s4 =	sadd.s32 $0x2D000, s2;
	s9 =	sand.u32 $0xF80, s7;
	(pc) =	sbr.rel .LBB2_1-.Ltmp0, $4  }
0x8: {  	[sflag:s6] =	ssyncpa.u1 $0x0;
	p0 =	sne.s32 s9, $0x0;
	s9 =	simm.s32 $0x1  }
0x9: {  	[sflag:s10] =	ssyncpa.u1 $0x0;
	s7 =	sshrl.u32 s7, $0xC;
	s9 =	simm.s32 @!p0 $0x0  }
0xa: {  	s31 =	sshrl.u32 s3, $0x3;
	s10 =	simm.s32 $0x0;
	s7 =	sadd.s32 s9, s7  }
0xb: {  	vm0 =	vmmov $0xffff;
	v0 =	vimm.s32 $0x0;
	v1 =	vlaneseq.u32;
	s8 =	sadd.s32 s8, s31;
	p0 =	por $0x0, $0x0;
	s9 =	sadd.s32 $0x1, s7  }
.LBB2_4:
0xc: {  	_ =	sdelay $0x3  }
0xd: {  	[tilespmem:s20], [sflag:$0x1] =	stream.indirect_vreg.gather [hbm4b:s2+s10], $0x1, v2, vm0, $0x4038;
	[tilespmem:$0x500] =	vst v63  }
0xe: {  	s14 =	sadd.s32 s16, s14  }
0xf: {  	v2 =	vld.msk [tilespmem:s14+$0x0 ss:$0x1], $0xffff;
	_ =	sdelay $0x4  }
0x10: {  	v3 =	vshrl.u32 v2, $0x1  }
0x11: {  	v4 =	vand.u32 $0x1, v2;
	vm1 =	veq.s32 v2, $0x80000000;
	v2 =	vand.u32 $0x3FFFF, v3  }
0x12: {  	p1 =	sgt.s32 s17, $0x0;
	vm2 =	veq.s32 v4, $0x1;
	v2 =	vsel vm1, $0xFFFFFFFF, v2  }
0x13: {  	s17 =	simm.s32 @!p1 $0x0;
	v3 =	vsel vm2, $0xB2200, v0;
	v61 =	vshll.u32 v2, $0x2  }
0x14: {  	s26 =	smin.u32 s17, $0x10;
	v3 =	vsel vm1, $0xFFF4DE00, v3;
	v4 =	vand.u32 $0xFFFFFE00, v61  }
0x15: {  	v62 =	vmov s26;
	v2 =	vand.u32 $0x7F, v2;
	v3 =	vadd.s32 v3, v4  }
0x16: {  	vm1 =	vgt.u32 v62, v1;
	v2 =	vor.u32 v2, v3  }
0x17: {  	v3 =	vnsel vm1, $0x7FFFFFFF, v2;
	_ =	sdelay $0x1  }
0x18: {  	v63 =	vor.u32 $0x80, v2  }
0x19: {  	(ifvalue) =	ssetifvalue $0x7FFFFFFF;
	v4 =	vnsel vm1, $0x7FFFFFFF, v63  }
0x1a: {  	s28 =	sadd.s32 s16, s15;
	(ifvalue) =	ssetifvalue $0x7FFFFFFF  }
0x1b: {  	v5 =	vor.u32 $0x100, v2;
	[tilespmem:s28], [sflag:$0x1] =	stream.indirect_vreg.gather [hbm4b:s2+s10], $0x1, v3, vm0, $0x4038;
	[tilespmem:$0x500] =	vst v63  }
0x1c: {  	(ifvalue) =	ssetifvalue $0x7FFFFFFF;
	v3 =	vnsel vm1, $0x7FFFFFFF, v5  }
0x1d: {  	s15 =	sadd.s32 $0x80, s28;
	(ifvalue) =	ssetifvalue $0x7FFFFFFF  }
0x1e: {  	v2 =	vor.u32 $0x180, v2;
	[tilespmem:s15], [sflag:$0x1] =	stream.indirect_vreg.gather [hbm4b:s2+s10], $0x1, v4, vm0, $0x4038;
	[tilespmem:$0x500] =	vst v63  }
0x1f: {  	v2 =	vnsel vm1, $0x7FFFFFFF, v2;
	(ifvalue) =	ssetifvalue $0x7FFFFFFF  }
0x20: {  	s29 =	sadd.s32 $0x100, s28;
	(ifvalue) =	ssetifvalue $0x7FFFFFFF  }
0x21: {  	[tilespmem:s29], [sflag:$0x1] =	stream.indirect_vreg.gather [hbm4b:s2+s10], $0x1, v3, vm0, $0x4038;
	[tilespmem:$0x500] =	vst v63  }
0x22: {  	(ifvalue) =	ssetifvalue $0x7FFFFFFF  }
0x23: {  	s30 =	sshll.u32 s12, $0x2;
	s14 =	sadd.s32 $0x180, s28;
	(ifvalue) =	ssetifvalue $0x7FFFFFFF  }
0x24: {  	[tilespmem:s14], [sflag:$0x1] =	stream.indirect_vreg.gather [hbm4b:s2+s10], $0x1, v2, vm0, $0x4038;
	[tilespmem:$0x500] =	vst v63  }
0x25: {  	s31 =	sand.u32 $0x78, s12;
	s14 =	sand.u32 $0x7FFFFE00, s30  }
0x26: {  	_ =	swait.ge [sflag:s5], $0x200;
	s12 =	sor.u32 s31, s14  }
0x27: {  	[sflag:s5] =	ssyncset.done $0x0;
	s12 =	sshrl.u32 s12, $0x3  }
0x28: {  	[sflag:s5] =	ssyncadd.s32 $0xFFFFFE00;
	s12 =	sadd.s32 s4, s12  }
0x29: {  	[hbm:s12] =	stream.linear.scatter [tilespmem:s13], [sflag:$0x3], $0x200, $0x38;
	[tilespmem:$0x500] =	vst v63  }
.LBB2_5:
0x2a: {  	p2 =	sne.s32 s11, s9  }
.Ltmp1:
0x2b: {  	p1 =	slt.u32 s11, $0x2;
	(pc) =	sbr.rel @!p2 .LBB2_6-.Ltmp1, $4  }
0x2c: {  	s12 =	simm.s32 @!p1 $0x3  }
0x2d: {  	_ =	swait.ge @!p1 [sflag:s12], $0x200  }
0x2e: {  	s13 =	sadd.s32 $0x1, s11;
	p0 =	por !p0, !p0;
	[sflag:s12] =	ssyncset.done @!p1 $0x0  }
0x2f: {  	s11 =	smov.u32 s13;
	[sflag:s12] =	ssyncadd.s32 @!p1 $0xFFFFFE00;
	s12 =	smov.u32 s3  }
.LBB2_1:
0x30: {  	p1 =	sge.u32 s11, s7  }
0x31: {  	s13 =	sxor.u32 @!p1 $0xFFFFFFFF, s11  }
0x32: {  	s13 =	sshll.u32 @!p1 s13, $0x7  }
0x33: {  	s31 =	sadd.s32 $0xFFFFFFFF, s11;
	s14 =	simm.s32 @!p1 $0x0;
	s13 =	sand.u32 @!p1 $0x80, s13  }
0x34: {  	[tilespmem:s13], [sflag:$0x2] =	stream.linear.gather @!p1 [hbm4b:s8+s14], $0x80, $0x38;
	[tilespmem:$0x500] =	vst v63  }
0x35: {  	p1 =	sge.u32 s31, s7  }
.Ltmp2:
0x36: {  	_ = 	snop;
	(pc) =	sbr.rel @p1 .LBB2_5-.Ltmp2, $1  }
0x37: {  	_ =	sdelay $0x3  }
0x38: {  	s13 =	simm.s32 $0x1  }
0x39: {  	_ =	swait.ge [sflag:s6], $0x80;
	s13 =	simm.s32 @!p0 $0x0  }
0x3a: {  	[sflag:s6] =	ssyncset.done $0x0;
	s14 =	sshll.u32 s13, $0x7  }
0x3b: {  	[sflag:s6] =	ssyncadd.s32 $0xFFFFFF80;
	s15 =	sadd.s32 $0x0, s14  }
0x3c: {  	v2 =	vld.msk [tilespmem:s15+$0x0 ss:$0x1], $0xffff;
	_ =	sdelay $0x3  }
0x3d: {  	s17 =	ssub.s32 $0xFA0, s12  }
0x3e: {  	p1 =	slt.s32 s17, $0x80;
	v3 =	vshrl.u32 v2, $0x1  }
0x3f: {  	s17 =	simm.s32 @!p1 $0x80;
	v4 =	vand.u32 $0x1, v2;
	vm1 =	veq.s32 v2, $0x80000000;
	v2 =	vand.u32 $0x3FFFF, v3  }
0x40: {  	p1 =	sgt.s32 s17, $0x0;
	s15 =	smov.u32 s17;
	vm2 =	veq.s32 v4, $0x1;
	v2 =	vsel vm1, $0xFFFFFFFF, v2  }
0x41: {  	s15 =	simm.s32 @!p1 $0x0;
	v3 =	vsel vm2, $0xB2200, v0;
	v61 =	vshll.u32 v2, $0x2  }
0x42: {  	s15 =	smin.u32 s15, $0x10;
	v3 =	vsel vm1, $0xFFF4DE00, v3;
	v4 =	vand.u32 $0xFFFFFE00, v61  }
0x43: {  	v62 =	vmov s15;
	v2 =	vand.u32 $0x7F, v2;
	v3 =	vadd.s32 v3, v4  }
0x44: {  	vm1 =	vgt.u32 v62, v1;
	v2 =	vor.u32 v2, v3  }
0x45: {  	v3 =	vnsel vm1, $0x7FFFFFFF, v2;
	_ =	sdelay $0x1  }
0x46: {  	s13 =	sshll.u32 s13, $0x9;
	v63 =	vor.u32 $0x80, v2  }
0x47: {  	(ifvalue) =	ssetifvalue $0x7FFFFFFF;
	s15 =	sor.u32 $0x100, s13;
	v4 =	vnsel vm1, $0x7FFFFFFF, v63  }
0x48: {  	(ifvalue) =	ssetifvalue $0x7FFFFFFF;
	s18 =	sadd.s32 $0x0, s15  }
0x49: {  	v5 =	vor.u32 $0x100, v2;
	[tilespmem:s18], [sflag:$0x1] =	stream.indirect_vreg.gather [hbm4b:s2+s10], $0x1, v3, vm0, $0x4038;
	[tilespmem:$0x500] =	vst v63  }
0x4a: {  	(ifvalue) =	ssetifvalue $0x7FFFFFFF;
	v3 =	vnsel vm1, $0x7FFFFFFF, v5  }
0x4b: {  	s16 =	sadd.s32 $0x80, s18;
	(ifvalue) =	ssetifvalue $0x7FFFFFFF  }
0x4c: {  	v2 =	vor.u32 $0x180, v2;
	[tilespmem:s16], [sflag:$0x1] =	stream.indirect_vreg.gather [hbm4b:s2+s10], $0x1, v4, vm0, $0x4038;
	[tilespmem:$0x500] =	vst v63  }
0x4d: {  	s30 =	sshll.u32 s11, $0x9;
	s19 =	simm.s32 $0x80;
	v2 =	vnsel vm1, $0x7FFFFFFF, v2;
	(ifvalue) =	ssetifvalue $0x7FFFFFFF  }
0x4e: {  	s13 =	sand.u32 $0x200, s30;
	s31 =	sadd.s32 $0x100, s18;
	(ifvalue) =	ssetifvalue $0x7FFFFFFF  }
0x4f: {  	[tilespmem:s31], [sflag:$0x1] =	stream.indirect_vreg.gather [hbm4b:s2+s10], $0x1, v3, vm0, $0x4038;
	[tilespmem:$0x500] =	vst v63  }
0x50: {  	s17 =	sadd.s32 $0xFFFFFFF0, s17;
	s13 =	sor.u32 $0x100, s13;
	(ifvalue) =	ssetifvalue $0x7FFFFFFF  }
0x51: {  	s20 =	sadd.s32 $0x180, s18;
	s16 =	simm.s32 $0x10;
	(ifvalue) =	ssetifvalue $0x7FFFFFFF  }
.LBB2_3:
0x52: {  	[tilespmem:s20], [sflag:$0x1] =	stream.indirect_vreg.gather [hbm4b:s2+s10], $0x1, v2, vm0, $0x4038;
	[tilespmem:$0x500] =	vst v63  }
0x53: {  	s18 =	smov.u32 s19  }
0x54: {  	s21 =	sadd.s32 s16, s14;
	s20 =	sshra.s32 s18, $0x2;
	s18 =	sadd.s32 $0x40, s19  }
0x55: {  	p1 =	sne.s32 s19, $0x1C0;
	v2 =	vld.msk [tilespmem:s21+$0x0 ss:$0x1], $0xffff  }
0x56: {  	(ifvalue) =	ssetifvalue $0x7FFFFFFF;
	_ =	sdelay $0x4  }
0x57: {  	v3 =	vshrl.u32 v2, $0x1;
	v4 =	vand.u32 $0x1, v2  }
0x58: {  	vm1 =	veq.s32 v2, $0x80000000;
	v2 =	vand.u32 $0x3FFFF, v3;
	vm2 =	veq.s32 v4, $0x1  }
0x59: {  	p2 =	sgt.s32 s17, $0x0;
	s19 =	smov.u32 s17;
	v2 =	vsel vm1, $0xFFFFFFFF, v2;
	v3 =	vsel vm2, $0xB2200, v0  }
0x5a: {  	s19 =	simm.s32 @!p2 $0x0;
	v3 =	vsel vm1, $0xFFF4DE00, v3;
	v4 =	vshll.u32 v2, $0x2  }
0x5b: {  	s19 =	smin.u32 s19, $0x10;
	v4 =	vand.u32 $0xFFFFFE00, v4  }
0x5c: {  	v2 =	vand.u32 $0x7F, v2;
	v3 =	vadd.s32 v3, v4;
	v4 =	vmov s19  }
0x5d: {  	v2 =	vor.u32 v2, v3;
	vm1 =	vgt.u32 v4, v1  }
0x5e: {  	v3 =	vnsel vm1, $0x7FFFFFFF, v2;
	v4 =	vor.u32 $0x80, v2;
	v5 =	vor.u32 $0x100, v2  }
0x5f: {  	v2 =	vor.u32 $0x180, v2;
	_ =	sdelay $0x1  }
0x60: {  	v4 =	vnsel vm1, $0x7FFFFFFF, v4  }
0x61: {  	s19 =	sadd.s32 s16, s15;
	s16 =	smov.u32 s20;
	(ifvalue) =	ssetifvalue $0x7FFFFFFF  }
0x62: {  	[tilespmem:s19], [sflag:$0x1] =	stream.indirect_vreg.gather [hbm4b:s2+s10], $0x1, v3, vm0, $0x4038;
	[tilespmem:$0x500] =	vst v63  }
0x63: {  	v3 =	vnsel vm1, $0x7FFFFFFF, v5;
	(ifvalue) =	ssetifvalue $0x7FFFFFFF  }
0x64: {  	s20 =	sadd.s32 $0x80, s19;
	(ifvalue) =	ssetifvalue $0x7FFFFFFF  }
0x65: {  	[tilespmem:s20], [sflag:$0x1] =	stream.indirect_vreg.gather [hbm4b:s2+s10], $0x1, v4, vm0, $0x4038;
	[tilespmem:$0x500] =	vst v63  }
.Ltmp3:
0x66: {  	v2 =	vnsel vm1, $0x7FFFFFFF, v2;
	(ifvalue) =	ssetifvalue $0x7FFFFFFF;
	(pc) =	sbr.rel @p1 .LBB2_3-.Ltmp3, $4  }
0x67: {  	s20 =	sadd.s32 $0x100, s19;
	(ifvalue) =	ssetifvalue $0x7FFFFFFF  }
0x68: {  	[tilespmem:s20], [sflag:$0x1] =	stream.indirect_vreg.gather [hbm4b:s2+s10], $0x1, v3, vm0, $0x4038;
	[tilespmem:$0x500] =	vst v63  }
0x69: {  	s17 =	sadd.s32 $0xFFFFFFF0, s17;
	(ifvalue) =	ssetifvalue $0x7FFFFFFF  }
0x6a: {  	s20 =	sadd.s32 $0x180, s19;
	s19 =	smov.u32 s18;
	(ifvalue) =	ssetifvalue $0x7FFFFFFF  }
.Ltmp4:
0x6b: {  	_ = 	snop;
	(pc) =	sbr.rel .LBB2_4-.Ltmp4, $1  }
0x6c: {  	_ =	sdelay $0x3  }
.LBB2_6:
0x6d: {  	_ =	sfence.sel $0x180000  }
0x6e: {  	s2 =	simm.s32 $0x2;
	[bflag:$0x0] =	sbarrier.arrive $0xFFFF  }
0x6f: {  	s30 =	simm.s32 $0x3;
	[sflag:s2] =	ssyncpa.u1 $0x1  }
0x70: {  	s31 =	simm.s32 $0x1;
	[sflag:s30] =	ssyncpa.u1 $0x1  }
0x71: {  	[sflag:s31] =	ssyncpa.u1 $0x1  }
0x72: {  	p0 =	sne.s32 s1, $0x0;
	_ =	strace $0x90000047  }
0x73: {  	s0 =	sadd.s32 @!p0 $0x100000, s0;
	[bflag:$0x2] =	sbarrier.arrive $0xFFFF  }
0x74: {  	[sflag:s0] =	ssyncadd.tile.s32 @!p0 $0x1;
	_ =	shalt  }
.Lfunc_end2:
_tile_overlayer_lowered:
.L_overlay_start_2:
0x75: {  	(tag) =	ssettag $0x2  }
0x76: {  	s0 =	rddreg [dreg:$0x0];
	s2 =	stileid.u32  }
0x77: {  	s1 =	rddreg [dreg:$0x1];
	p0 =	sne.s32 s2, $0x0  }
0x78: {  	s3 =	rddreg [dreg:$0x2];
	[bflag:$0x3] =	sbarrier.arrive $0xFFFF;
	s2 =	simm.s32 @!p0 $0x1C01  }
0x79: {  	[timem:s3], [sflag:s2] =	dma.local @!p0 [hbm:s0], s1  }
0x7a: {  	s0 =	simm.s32 @!p0 $0x1  }
0x7b: {  	_ =	swait.ge @!p0 [sflag:s0], s1  }
0x7c: {  	s1 =	ssub.s32 @!p0 $0x0, s1;
	[sflag:s0] =	ssyncset.done @!p0 $0x0  }
0x7d: {  	[sflag:s0] =	ssyncadd.s32 @!p0 s1  }
0x7e: {  	[bflag:$0x3] =	sbarrier.arrive $0xFFFF  }
0x7f: {  	_ =	shalt  }

// kernel: gather_offload_async_start
scs
__scs_entry_jumppad:
0x0: {  	(pc) =	sbr.rel $0x88, $3  }
0x1: {  	(tag) =	ssettag $0x0;
	lr =	simm.s32 $0x1  }
0x2: {  	[smem:$0x3F9E] =	sst lr;
	_ =	strace $0xD0000000  }
0x3: {  	_ = 	snop  }
0x4: {  	_ = 	snop  }
0x5: {  	_ = 	snop  }
0x6: {  	_ = 	snop  }
0x7: {  	_ = 	snop  }
__scs_overlays_trampoline_lowered:
0x8: {  	[smem:$0x3FAD] =	sst s0  }
0x9: {  	[smem:$0x3FAE] =	sst s1  }
0xa: {  	[smem:$0x3FAF] =	sst s2  }
0xb: {  	[smem:$0x3FB0] =	sst s3  }
0xc: {  	[smem:$0x3FB1] =	sst s4  }
0xd: {  	[smem:$0x3FB2] =	sst s5  }
0xe: {  	[smem:$0x3FB3] =	sst s6  }
0xf: {  	[smem:$0x3FB4] =	sst s7  }
0x10: {  	[smem:$0x3FB5] =	sst s8  }
0x11: {  	[smem:$0x3FB6] =	sst s9;
	s0 =	simm.s32 @!p0 $0x0  }
0x12: {  	s1 =	sld [smem:$0x3F9C];
	s0 =	simm.s32 @p0 $0x1  }
0x13: {  	[smem:$0x3FB7] =	sst s0;
	s0 =	simm.s32 @!p1 $0x0  }
0x14: {  	s2 =	sld [smem:$0x3F9B];
	s0 =	simm.s32 @p1 $0x1  }
0x15: {  	[smem:$0x3FB8] =	sst s0;
	s0 =	simm.s32 @!p2 $0x0  }
0x16: {  	s3 =	sld [smem:$0x3FDB];
	s0 =	simm.s32 @p2 $0x1  }
0x17: {  	s4 =	simm.s32 $0x1BF5;
	[smem:$0x3FBA] =	sst s0  }
0x18: {  	s0 =	sld [smem:$0x3F9D];
	_ =	swait.ge [sflag:s4], $0x0  }
0x19: {  	s7 =	sld [smem:$0x3F9E]  }
0x1a: {  	s8 =	sadd.s32 $0xFFFFE003, lr  }
0x1b: {  	s9 =	sadd.s32 $0xFFFFFEF7, lr;
	s5 =	simm.s32 $0xFFFFFFFF;
	p2 =	slt.u32 s8, $0xFFFFF086  }
0x1c: {  	p1 =	slt.u32 s9, $0xF7A;
	s5 =	simm.s32 @!p2 $0x0  }
0x1d: {  	s5 =	simm.s32 @p1 $0x1;
	p0 =	seq.s32 s7, s2  }
0x1e: {  	s7 =	smul.u32 @!p0 $0xF7A, s2;
	p2 =	seq.s32 @!p0 s5, $0x0  }
0x1f: {  	s9 =	smul.u32 $0xF7A, s1;
	s8 =	simm.s32 @!p0 $0x1BF5;
	p2 =	por !p2, p0  }
0x20: {  	[sflag:s8] =	ssyncset.s32 @!p0 $0xFFFFF086;
	s6 =	sadd.s32 @!p0 s3, s7;
	s7 =	simm.s32 @!p0 $0x108  }
0x21: {  	s3 =	sadd.s32 s3, s9;
	s6 =	sadd.s32 @!p0 $0x88, s6;
	s7 =	simm.s32 @p2 $0x1082  }
0x22: {  	[simem:s7], [sflag:s8] =	dma.local @!p0 [hbm:s6], $0xF7A  }
0x23: {  	s9 =	sor.u32 $0xD0000000, s2;
	s6 =	simm.s32 $0x108;
	_ =	swait.ge @!p0 [sflag:s8], $0x0  }
0x24: {  	s3 =	sadd.s32 $0x88, s3;
	s6 =	simm.s32 @!p1 $0x1082;
	[sflag:s4] =	ssyncset.s32 $0xFFFFF086  }
0x25: {  	[simem:s6], [sflag:s4] =	dma.local [hbm:s3], $0xF7A  }
0x26: {  	[smem:$0x3F9E] =	sst s1;
	(tag) =	ssettag s2;
	_ =	strace s9  }
0x27: {  	s1 =	sld [smem:$0x3FAE]  }
0x28: {  	s2 =	sld [smem:$0x3FAF]  }
0x29: {  	s4 =	sld [smem:$0x3FB1]  }
0x2a: {  	p0 =	seq.s32 s5, $0x0;
	s5 =	sld [smem:$0x3FB2]  }
0x2b: {  	s6 =	sld [smem:$0x3FB3]  }
0x2c: {  	s7 =	sld [smem:$0x3FB4]  }
0x2d: {  	s3 =	simm.s32 $0x108;
	s8 =	sld [smem:$0x3FB5]  }
0x2e: {  	s3 =	simm.s32 @!p0 $0x1082;
	s9 =	sld [smem:$0x3FB6]  }
0x2f: {  	lr =	sadd.s32 s0, s3;
	s0 =	sld [smem:$0x3FAD]  }
0x30: {  	s3 =	sld [smem:$0x3FB0]  }
0x31: {  	[smem:$0x3FB9] =	sst s10  }
0x32: {  	s10 =	sld [smem:$0x3FB7];
	_ =	sdelay $0x3  }
0x33: {  	p0 =	seq.s32 s10, $0x1;
	s10 =	sld [smem:$0x3FB9];
	_ =	sdelay $0x3  }
0x34: {  	[smem:$0x3FB9] =	sst s10  }
0x35: {  	s10 =	sld [smem:$0x3FB8];
	_ =	sdelay $0x3  }
0x36: {  	p1 =	seq.s32 s10, $0x1;
	s10 =	sld [smem:$0x3FB9];
	_ =	sdelay $0x3  }
0x37: {  	[smem:$0x3FB9] =	sst s10  }
0x38: {  	s10 =	sld [smem:$0x3FBA]  }
0x39: {  	_ = 	snop;
	(pc) =	sbr.ind lr, $3  }
0x3a: {  	_ = 	snop  }
0x3b: {  	_ = 	snop  }
0x3c: {  	p2 =	seq.s32 s10, $0x1;
	s10 =	sld [smem:$0x3FB9]  }
0x3d: {  	_ =	shalt  }
0x3e: {  	_ =	shalt  }
0x3f: {  	_ =	shalt  }
0x40: {  	_ =	shalt  }
0x41: {  	_ =	shalt  }
0x42: {  	_ =	shalt  }
0x43: {  	_ =	shalt  }
0x44: {  	_ =	shalt  }
0x45: {  	_ =	shalt  }
0x46: {  	_ =	shalt  }
0x47: {  	_ =	shalt  }
0x48: {  	_ =	shalt  }
0x49: {  	_ =	shalt  }
0x4a: {  	_ =	shalt  }
0x4b: {  	_ =	shalt  }
0x4c: {  	_ =	shalt  }
0x4d: {  	_ =	shalt  }
0x4e: {  	_ =	shalt  }
0x4f: {  	_ =	shalt  }
0x50: {  	_ =	shalt  }
0x51: {  	_ =	shalt  }
0x52: {  	_ =	shalt  }
0x53: {  	_ =	shalt  }
0x54: {  	_ =	shalt  }
0x55: {  	_ =	shalt  }
0x56: {  	_ =	shalt  }
0x57: {  	_ =	shalt  }
0x58: {  	_ =	shalt  }
0x59: {  	_ =	shalt  }
0x5a: {  	_ =	shalt  }
0x5b: {  	_ =	shalt  }
0x5c: {  	_ =	shalt  }
0x5d: {  	_ =	shalt  }
0x5e: {  	_ =	shalt  }
0x5f: {  	_ =	shalt  }
0x60: {  	_ =	shalt  }
0x61: {  	_ =	shalt  }
0x62: {  	_ =	shalt  }
0x63: {  	_ =	shalt  }
0x64: {  	_ =	shalt  }
0x65: {  	_ =	shalt  }
0x66: {  	_ =	shalt  }
0x67: {  	_ =	shalt  }
0x68: {  	_ =	shalt  }
0x69: {  	_ =	shalt  }
0x6a: {  	_ =	shalt  }
0x6b: {  	_ =	shalt  }
0x6c: {  	_ =	shalt  }
0x6d: {  	_ =	shalt  }
0x6e: {  	_ =	shalt  }
0x6f: {  	_ =	shalt  }
0x70: {  	_ =	shalt  }
0x71: {  	_ =	shalt  }
0x72: {  	_ =	shalt  }
0x73: {  	_ =	shalt  }
0x74: {  	_ =	shalt  }
0x75: {  	_ =	shalt  }
0x76: {  	_ =	shalt  }
0x77: {  	_ =	shalt  }
0x78: {  	_ =	shalt  }
0x79: {  	_ =	shalt  }
0x7a: {  	_ =	shalt  }
0x7b: {  	_ =	shalt  }
0x7c: {  	_ =	shalt  }
0x7d: {  	_ =	shalt  }
0x7e: {  	_ =	shalt  }
0x7f: {  	_ =	shalt  }
0x80: {  	_ =	shalt  }
0x81: {  	_ =	shalt  }
0x82: {  	_ =	shalt  }
0x83: {  	_ =	shalt  }
0x84: {  	_ =	shalt  }
0x85: {  	_ =	shalt  }
0x86: {  	_ =	shalt  }
0x87: {  	_ =	shalt  }
.Lfunc_end0:
.L_simem_size_0:
called_computation_lowered:
.L_overlay_start_0:
0x88: {  	s2 =	sld [smem:$0x3FD9]  }
0x89: {  	s3 =	sld [smem:$0x3FFE];
	_ =	sdelay $0x1  }
0x8a: {  	s1 =	srdreg.scid  }
0x8b: {  	s0 =	sand.u32 $0x1, s1  }
0x8c: {  	s16 =	sshll.u32 s0, $0xA;
	s2 =	sadd.s32 s3, s2  }
0x8d: {  	s2 =	sadd.s32 s2, s16  }
0x8e: {  	[smem:$0x3FC5] =	sst s2  }
0x8f: {  	_ = 	snop  }
0x90: {  	(tm) =	ssettm $0x1  }
0x91: {  	s17 =	sld [smem:$0x3FFB];
	_ =	sdelay $0x3  }
0x92: {  	_ =	strace s17  }
0x93: {  	s2 =	sld [smem:$0x3FFC];
	_ =	sdelay $0x3  }
0x94: {  	_ =	strace s2  }
0x95: {  	s2 =	sld [smem:$0x3FFD];
	_ =	sdelay $0x3  }
0x96: {  	_ =	strace s2  }
0x97: {  	_ =	strace $0x8FFFFFFF  }
0x98: {  	s18 =	sld [smem:$0x3FDB];
	_ =	sdelay $0x1  }
0x99: {  	s19 =	simm.s32 $_scs_section_size  }
0x9a: {  	s4 =	simm.s32 $_size__tile_overlayer_lowered;
	s5 =	simm.s32 $_tile_overlayer_lowered  }
0x9b: {  	s22 =	simm.s32 $0x1BFF;
	s21 =	sshll.u32 s5, $0x1;
	s2 =	sadd.s32 s19, s18  }
0x9c: {  	s6 =	simm.s32 $0x0;
	s20 =	sshll.u32 s4, $0x1;
	s4 =	sadd.s32 s21, s2  }
0x9d: {  	[timem:s6], [sflag:s22] =	dma.local [hbm:s4], s20  }
0x9e: {  	_ =	swait.ge [sflag:s22], s20  }
0x9f: {  	s3 =	ssub.s32 $0x0, s20;
	[sflag:s22] =	ssyncset.done $0x0  }
0xa0: {  	[sflag:s22] =	ssyncadd.s32 s3;
	_ =	sdelay $0x1  }
0xa1: {  	s23 =	simm.s32 $0x1B8B  }
0xa2: {  	_ =	swait.ge [sflag:s23], $0x1  }
0xa3: {  	[sflag:s23] =	ssyncset.done $0x0  }
0xa4: {  	s25 =	simm.s32 $0x1B8E;
	s24 =	sld [smem:$0x3FFE];
	[sflag:s23] =	ssyncadd.s32 $0xFFFFFFFF  }
0xa5: {  	s26 =	simm.s32 $execute0_lowered;
	[smem:$0x3FD2] =	sst s25  }
0xa6: {  	s4 =	sshll.u32 s26, $0x1;
	_ =	strace $0x80000049;
	[dreg:$0x1] =	wrdreg $0xFFFFFFFF  }
0xa7: {  	s28 =	simm.s32 $_size_execute0_lowered;
	s2 =	sadd.s32 s2, s4;
	[dreg:$0x0] =	wrdreg $0x0  }
0xa8: {  	s4 =	sshll.u32 s28, $0x1;
	[dreg:$0x2] =	wrdreg s2  }
0xa9: {  	[dreg:$0x3] =	wrdreg s4  }
0xaa: {  	[dreg:$0x4] =	wrdreg $0xC0  }
0xab: {  	_ =	task [dreg:s6], $0x5FFFF  }
0xac: {  	[dreg:$0x1] =	wrdreg $0xFFFFFFFF  }
0xad: {  	[dreg:$0x0] =	wrdreg $0x60  }
0xae: {  	[dreg:$0x2] =	wrdreg s24  }
0xaf: {  	[dreg:$0x3] =	wrdreg $0x9  }
0xb0: {  	_ =	task.clear_ibuf [dreg:s6], $0x4FFFF;
	_ =	strace $0x90000049  }
0xb1: {  	s29 =	simm.s32 $0x9;
	_ =	strace $0x8000004B  }
0xb2: {  	_ =	swait.ge [sflag:s29], $0x1  }
0xb3: {  	[sflag:s29] =	ssyncadd.s32 $0xFFFFFFFF  }
0xb4: {  	_ =	strace $0x9000004B  }
0xb5: {  	_ =	sfence  }
0xb6: {  	s30 =	sld [smem:$0x0];
	_ =	sdelay $0x2  }
0xb7: {  	s31 =	sshll.u32 s1, $0xD;
	s1 =	sshrl.u32 s1, $0x2  }
0xb8: {  	s3 =	sand.u32 $0x4000, s31;
	s1 =	sadd.s32 s1, s30  }
0xb9: {  	s0 =	sor.u32 s3, s0;
	s1 =	sshll.u32 s1, $0x11  }
0xba: {  	s0 =	sor.u32 s1, s0  }
0xbb: {  	s0 =	sadd.s32 $0x8F2B, s0  }
0xbc: {  	[sflag:s0] =	ssyncadd.remote.s32 $0x1  }
0xbd: {  	_ =	sfence.sel $0xFFFF  }
0xbe: {  	[dreg:$0x0] =	wrdreg $0xFFFFFFFF;
	(pc) =	sbr.abs _section_cstart, $3  }
0xbf: {  	[dreg:$0x1] =	wrdreg $0xFFFFFFFF  }
0xc0: {  	_ =	task.clear_ibuf [dreg:s6], $0x2FFFF;
	_ =	strace $0x9FFFFFFF  }
0xc1: {  	(tm) =	ssettm $0x7FFFFFFF  }
tec
execute0_lowered:
.L_overlay_start_1:
0x0: {  	(tag) =	ssettag $0x1  }
0x1: {  	s0 =	srdreg.scid  }
0x2: {  	s1 =	sshll.u32 s0, $0x4  }
0x3: {  	s0 =	stileid.u32;
	s1 =	sand.u32 $0x10, s1  }
0x4: {  	s1 =	sor.u32 s0, s1  }
0x5: {  	s2 =	smin.u32 s1, $0x12  }
0x6: {  	s2 =	sadd.s32 s1, s2  }
0x7: {  	p0 =	slt.u32 s1, $0x12;
	s1 =	simm.s32 $0xA0;
	s2 =	smul.u32 $0x50, s2  }
0x8: {  	s1 =	simm.s32 @!p0 $0x50  }
0x9: {  	s1 =	sadd.s32 s1, s2  }
0xa: {  	s3 =	smin.u32 s1, $0xFA0  }
0xb: {  	s7 =	ssub.s32 s3, s2  }
0xc: {  	p0 =	sgt.s32 s7, $0x0  }
0xd: {  	s7 =	simm.s32 @!p0 $0x0  }
0xe: {  	s31 =	smul.u32 $0xCCCD, s7  }
0xf: {  	s4 =	rddreg [dreg:$0x0];
	s6 =	simm.s32 $0x1  }
0x10: {  	s10 =	simm.s32 $0x3;
	s13 =	simm.s32 $0x0;
	s8 =	sshrl.u32 s31, $0x16  }
0x11: {  	s12 =	simm.s32 $0x0;
	s5 =	sadd.s32 $0x2CC00, s4;
	s9 =	smul.u32 $0x50, s8  }
.Ltmp0:
0x12: {  	s11 =	smov.u32 s2;
	s1 =	rddreg [dreg:$0x1];
	(pc) =	sbr.rel .LBB2_1-.Ltmp0, $4  }
0x13: {  	_ =	strace $0x8000004A;
	p0 =	sne.s32 s7, s9;
	s9 =	simm.s32 $0x1  }
0x14: {  	[sflag:s6] =	ssyncpa.u1 $0x0;
	s7 =	simm.s32 $0x2;
	s9 =	simm.s32 @!p0 $0x0  }
0x15: {  	[sflag:s7] =	ssyncpa.u1 $0x0;
	p0 =	por $0x0, $0x0;
	s8 =	sadd.s32 s8, s9  }
0x16: {  	vm0 =	vmmov $0xff;
	vm1 =	vcmask $0x3F20;
	s9 =	sadd.s32 $0x2CA00, s4;
	[sflag:s10] =	ssyncpa.u1 $0x0;
	s10 =	sadd.s32 $0x1, s8  }
.LBB2_6:
0x17: {  	[hbm:s17] =	stream.linear.scatter [tilespmem:s14], [sflag:$0x3], $0x400, $0x38;
	[tilespmem:$0x50A0] =	vst v63  }
.LBB2_7:
0x18: {  	s13 =	sadd.s32 $0x50, s11  }
0x19: {  	s15 =	smov.u32 s2;
	p2 =	slt.s32 s13, s3  }
0x1a: {  	s15 =	smov.u32 @p2 s13;
	p2 =	sne.s32 s12, s10  }
.Ltmp1:
0x1b: {  	p1 =	slt.u32 s12, $0x2;
	(pc) =	sbr.rel @!p2 .LBB2_8-.Ltmp1, $4  }
0x1c: {  	s14 =	simm.s32 @!p1 $0x3  }
0x1d: {  	s16 =	sadd.s32 $0x1, s12;
	_ =	swait.ge @!p1 [sflag:s14], $0x2800  }
0x1e: {  	p0 =	por !p0, !p0;
	s13 =	smov.u32 s11;
	[sflag:s14] =	ssyncset.done @!p1 $0x0  }
0x1f: {  	s12 =	smov.u32 s16;
	s11 =	smov.u32 s15;
	[sflag:s14] =	ssyncadd.s32 @!p1 $0xFFFFD800  }
.LBB2_1:
0x20: {  	p1 =	sge.u32 s12, s8  }
0x21: {  	s14 =	sxor.u32 @!p1 $0xFFFFFFFF, s12  }
0x22: {  	s14 =	sand.u32 @!p1 $0x1, s14  }
0x23: {  	s14 =	smul.u32 @!p1 $0x140, s14  }
0x24: {  	s31 =	sadd.s32 $0xFFFFFFFF, s12;
	s15 =	sshrl.u32 @!p1 s11, $0x3  }
0x25: {  	s16 =	sand.u32 @!p1 $0x7, s11;
	s15 =	sadd.s32 @!p1 s9, s15;
	s14 =	sshrl.u32 @!p1 s14, $0x2  }
0x26: {  	[tilespmem:s14], [sflag:$0x2] =	stream.linear.gather @!p1 [hbm4b:s15+s16], $0x50, $0x38;
	[tilespmem:$0x50A0] =	vst v63  }
0x27: {  	p1 =	sge.u32 s31, s8  }
.Ltmp2:
0x28: {  	_ = 	snop;
	(pc) =	sbr.rel @p1 .LBB2_7-.Ltmp2, $1  }
0x29: {  	_ =	sdelay $0x3  }
0x2a: {  	s14 =	simm.s32 $0x1  }
0x2b: {  	s14 =	simm.s32 @!p0 $0x0  }
0x2c: {  	s15 =	smul.u32 $0x140, s14  }
0x2d: {  	_ =	swait.ge [sflag:s7], $0x50  }
0x2e: {  	[sflag:s7] =	ssyncset.done $0x0;
	s16 =	sshrl.u32 s15, $0x2  }
0x2f: {  	[sflag:s7] =	ssyncadd.s32 $0xFFFFFFB0;
	s15 =	sadd.s32 $0x0, s16  }
0x30: {  	v0 =	vld.msk [tilespmem:s15+$0x0 ss:$0x1], $0xffff;
	_ =	sdelay $0x4  }
0x31: {  	vm2 =	vgt.s32 v0, $0x0  }
0x32: {  	v0 =	vnsel vm2, $0x0, v0  }
0x33: {  	v0 =	vmin.u32 v0, $0x2C87F  }
0x34: {  	v0 =	vshll.u32 v0, $0x4  }
0x35: {  	s14 =	smul.u32 $0xA000, s14;
	_ =	sdelay $0x1  }
0x36: {  	s14 =	sshrl.u32 s14, $0x2  }
0x37: {  	s14 =	sor.u32 $0xA0, s14  }
0x38: {  	[tilespmem:s14], [sflag:$0x1] =	stream.indirect_vreg.gather [hbm:s5], $0x80, v0, vm0, $0x38;
	[tilespmem:$0x50A0] =	vst v63  }
0x39: {  	s17 =	sadd.s32 $0x10, s16;
	s15 =	sadd.s32 $0x400, s14  }
0x3a: {  	[tilespmem:s15], [sflag:$0x1] =	stream.indirect_vreg.gather [hbm:s5], $0x80, v0, vm1, $0x38;
	[tilespmem:$0x50A0] =	vst v63  }
0x3b: {  	s18 =	simm.s32 $0x80;
	v0 =	vld.msk [tilespmem:s17+$0x0 ss:$0x1], $0xffff;
	s17 =	smov.u32 s14  }
.LBB2_3:
0x3c: {  	p1 =	sne.s32 s18, $0x100;
	_ =	sdelay $0x4  }
0x3d: {  	vm2 =	vgt.s32 v0, $0x0  }
0x3e: {  	v0 =	vnsel vm2, $0x0, v0  }
0x3f: {  	v0 =	vmin.u32 v0, $0x2C87F  }
0x40: {  	v0 =	vshll.u32 v0, $0x4;
	_ =	sdelay $0x3  }
.Ltmp3:
0x41: {  	s19 =	sshra.s32 s18, $0x2;
	s17 =	sadd.s32 $0x800, s17;
	(pc) =	sbr.rel @p1 .LBB2_3-.Ltmp3, $4  }
0x42: {  	[tilespmem:s17], [sflag:$0x1] =	stream.indirect_vreg.gather [hbm:s5], $0x80, v0, vm0, $0x38;
	[tilespmem:$0x50A0] =	vst v63  }
0x43: {  	s19 =	sadd.s32 s19, s16;
	s20 =	sadd.s32 $0x400, s17  }
0x44: {  	[tilespmem:s20], [sflag:$0x1] =	stream.indirect_vreg.gather [hbm:s5], $0x80, v0, vm1, $0x38;
	[tilespmem:$0x50A0] =	vst v63  }
0x45: {  	s18 =	sadd.s32 $0x40, s18;
	v0 =	vld.msk [tilespmem:s19+$0x0 ss:$0x1], $0xffff  }
0x46: {  	_ =	sdelay $0x3  }
0x47: {  	vm2 =	vgt.s32 v0, $0x0  }
0x48: {  	v0 =	vnsel vm2, $0x0, v0  }
0x49: {  	v0 =	vmin.u32 v0, $0x2C87F  }
0x4a: {  	v0 =	vshll.u32 v0, $0x4;
	_ =	sdelay $0x3  }
0x4b: {  	s16 =	sadd.s32 $0x800, s17  }
0x4c: {  	[tilespmem:s16], [sflag:$0x1] =	stream.indirect_vreg.gather [hbm:s5], $0x80, v0, vm0, $0x38;
	[tilespmem:$0x50A0] =	vst v63  }
0x4d: {  	s16 =	sadd.s32 $0x400, s16  }
0x4e: {  	[tilespmem:s16], [sflag:$0x1] =	stream.indirect_vreg.gather [hbm:s5], $0x80, v0, vm1, $0x38;
	[tilespmem:$0x50A0] =	vst v63  }
0x4f: {  	s13 =	sshll.u32 s13, $0x4;
	_ =	swait.ge [sflag:s6], $0x2800  }
0x50: {  	s13 =	sadd.s32 s13, s4;
	[sflag:s6] =	ssyncset.done $0x0  }
0x51: {  	s17 =	sadd.s32 $0x0, s13;
	s16 =	simm.s32 $0x80;
	[sflag:s6] =	ssyncadd.s32 $0xFFFFD800  }
.LBB2_5:
0x52: {  	[hbm:s17] =	stream.linear.scatter [tilespmem:s14], [sflag:$0x3], $0x400, $0x38;
	[tilespmem:$0x50A0] =	vst v63  }
0x53: {  	s17 =	smov.u32 s16;
	s14 =	smov.u32 s15;
	p1 =	sne.s32 s16, $0x480  }
.Ltmp4:
0x54: {  	s16 =	sadd.s32 $0x80, s16;
	(pc) =	sbr.rel @p1 .LBB2_5-.Ltmp4, $2  }
0x55: {  	_ =	sdelay $0x2  }
0x56: {  	s15 =	sadd.s32 $0x400, s15;
	s17 =	sadd.s32 s17, s13  }
.Ltmp5:
0x57: {  	_ = 	snop;
	(pc) =	sbr.rel .LBB2_6-.Ltmp5, $1  }
0x58: {  	_ =	sdelay $0x3  }
.LBB2_8:
0x59: {  	_ =	sfence.sel $0x180000  }
0x5a: {  	s2 =	simm.s32 $0x2;
	[bflag:$0x0] =	sbarrier.arrive $0xFFFF  }
0x5b: {  	s30 =	simm.s32 $0x3;
	[sflag:s2] =	ssyncpa.u1 $0x1  }
0x5c: {  	s31 =	simm.s32 $0x1;
	[sflag:s30] =	ssyncpa.u1 $0x1  }
0x5d: {  	[sflag:s31] =	ssyncpa.u1 $0x1  }
0x5e: {  	p0 =	sne.s32 s0, $0x0;
	_ =	strace $0x9000004A  }
0x5f: {  	s0 =	sadd.s32 @!p0 $0x100000, s1;
	[bflag:$0x2] =	sbarrier.arrive $0xFFFF  }
0x60: {  	[sflag:s0] =	ssyncadd.tile.s32 @!p0 $0x1;
	_ =	shalt  }
.Lfunc_end2:
_tile_overlayer_lowered:
.L_overlay_start_2:
0x61: {  	(tag) =	ssettag $0x2  }
0x62: {  	s0 =	rddreg [dreg:$0x0];
	s2 =	stileid.u32  }
0x63: {  	s1 =	rddreg [dreg:$0x1];
	p0 =	sne.s32 s2, $0x0  }
0x64: {  	s3 =	rddreg [dreg:$0x2];
	[bflag:$0x3] =	sbarrier.arrive $0xFFFF;
	s2 =	simm.s32 @!p0 $0x1C01  }
0x65: {  	[timem:s3], [sflag:s2] =	dma.local @!p0 [hbm:s0], s1  }
0x66: {  	s0 =	simm.s32 @!p0 $0x1  }
0x67: {  	_ =	swait.ge @!p0 [sflag:s0], s1  }
0x68: {  	s1 =	ssub.s32 @!p0 $0x0, s1;
	[sflag:s0] =	ssyncset.done @!p0 $0x0  }
0x69: {  	[sflag:s0] =	ssyncadd.s32 @!p0 s1  }
0x6a: {  	[bflag:$0x3] =	sbarrier.arrive $0xFFFF  }
0x6b: {  	_ =	shalt  }

</sc_bundles>
